<compile_context>
chip_gen: v7x
topology: tpu7x:2x2x1
jax: 0.10.2.dev20260603
libtpu: 0.0.44.dev20260713+nightly
codegen_flags: <defaults>
</compile_context>

<pallas_src>
import functools

import jax
import jax.numpy as jnp
from jax import lax
from jax.experimental import pallas as pl
from jax.experimental.pallas import tpu as pltpu
from jax.experimental.pallas import tpu_sc as plsc

NUM_CORES = 2
NUM_SUBCORES = 16
NUM_WORKERS = NUM_CORES * NUM_SUBCORES
CHUNK = 1280

_MESH = dict(core_axis_name="c", subcore_axis_name="s")


def _wid():
    return lax.axis_index("s") * NUM_CORES + lax.axis_index("c")


def _transpose_block(blk, stag, nvg):
    iota = lax.iota(jnp.int32, 16)
    vls = [iota + 16 * vg for vg in range(nvg)]
    vl32s = [vl * 32 for vl in vls]

    def tbody(t, carry):
        d_off = (iota + t) & 15
        work = []
        for dg in range(2):
            d_idx = d_off + 16 * dg
            for vg in range(nvg):
                val = plsc.load_gather(blk, [d_idx, vls[vg]])
                work.append((vl32s[vg] + d_idx, val))
        for addr, val in work:
            plsc.store_scatter(stag, [addr], val)
        return carry

    lax.fori_loop(0, 16, tbody, 0)


@jax.jit
def _untile(tab_t, tail_lin):
    d, v = tab_t.shape
    w = 256
    v_tail = v - (v // 128) * 128
    n_blk_full = (v - v_tail) // w
    n_main = (n_blk_full // NUM_WORKERS) & ~1
    n_rem = n_blk_full - n_main * NUM_WORKERS

    @functools.partial(
        pl.kernel,
        out_type=jax.ShapeDtypeStruct((v * d,), jnp.float32),
        mesh=plsc.VectorSubcoreMesh(**_MESH),
        scratch_types=[
            pltpu.VMEM((d, w), jnp.float32),
            pltpu.VMEM((d, w), jnp.float32),
            pltpu.VMEM((w * d,), jnp.float32),
            pltpu.VMEM((w * d,), jnp.float32),
            pltpu.SemaphoreType.DMA,
            pltpu.SemaphoreType.DMA,
            pltpu.SemaphoreType.DMA,
            pltpu.SemaphoreType.DMA,
        ],
        compiler_params=pltpu.CompilerParams(
            use_tc_tiling_on_sc=True, needs_layout_passes=False
        ),
    )
    def untile(t_hbm, tail_hbm, out_hbm, blk0, blk1, st0, st1, is0, is1, os0, os1):
        wid = _wid()
        blks = (blk0, blk1)
        stags = (st0, st1)
        isem = (is0, is1)
        osem = (os0, os1)

        def blk_idx(i):
            return wid + NUM_WORKERS * i

        def start_in(i, b):
            pltpu.async_copy(
                t_hbm.at[:, pl.ds(blk_idx(i) * w, w)], blks[b], isem[b]
            )

        def wait_in(i, b):
            pltpu.make_async_copy(
                t_hbm.at[:, pl.ds(blk_idx(i) * w, w)], blks[b], isem[b]
            ).wait()

        def start_out(i, b):
            pltpu.async_copy(
                stags[b], out_hbm.at[pl.ds(blk_idx(i) * w * d, w * d)], osem[b]
            )

        def wait_out(i, b):
            pltpu.make_async_copy(
                stags[b], out_hbm.at[pl.ds(blk_idx(i) * w * d, w * d)], osem[b]
            ).wait()

        start_in(0, 0)
        start_in(1, 1)

        def pair_body(p, carry):
            for b in (0, 1):
                i = 2 * p + b
                wait_in(i, b)

                @pl.when(i >= 2)
                def _():
                    wait_out(i - 2, b)

                _transpose_block(blks[b], stags[b], w // 16)
                start_out(i, b)

                @pl.when(i + 2 < n_main)
                def _():
                    start_in(i + 2, b)

            return carry

        lax.fori_loop(0, n_main // 2, pair_body, 0)
        wait_out(n_main - 2, 0)
        wait_out(n_main - 1, 1)

        @pl.when(wid < n_rem)
        def _():
            c = n_main * NUM_WORKERS + wid
            pltpu.sync_copy(t_hbm.at[:, pl.ds(c * w, w)], blk0)
            _transpose_block(blk0, st0, w // 16)
            pltpu.sync_copy(st0, out_hbm.at[pl.ds(c * w * d, w * d)])

        @pl.when(wid == n_rem)
        def _():
            base = n_blk_full * w
            pltpu.sync_copy(tail_hbm, st0.at[pl.ds(0, v_tail * d)])
            pltpu.sync_copy(
                st0.at[pl.ds(0, v_tail * d)],
                out_hbm.at[pl.ds(base * d, v_tail * d)],
            )

    return untile(tab_t, tail_lin)


@jax.jit
def _embed_native(xt, table):
    ll, bb = xt.shape
    _, d = table.shape
    bpw = bb // NUM_WORKERS
    n_dtiles = d // 8

    @functools.partial(
        pl.kernel,
        out_type=jax.ShapeDtypeStruct((ll * d * bb,), jnp.float32),
        mesh=plsc.VectorSubcoreMesh(**_MESH),
        scratch_types=[
            pltpu.VMEM((ll, bpw), jnp.int32),
            pltpu.VMEM((bpw, d), jnp.float32),
            pltpu.VMEM((bpw, d), jnp.float32),
            pltpu.VMEM((bpw * d,), jnp.float32),
            pltpu.VMEM((bpw * d,), jnp.float32),
            pltpu.SemaphoreType.DMA,
            pltpu.SemaphoreType.DMA,
            pltpu.SemaphoreType.DMA,
            pltpu.SemaphoreType.DMA,
        ],
        compiler_params=pltpu.CompilerParams(
            use_tc_tiling_on_sc=False, needs_layout_passes=False
        ),
    )
    def emb(x_hbm, tab_hbm, out_hbm, idx_v, g0, g1, st0, st1, gs0, gs1, os0, os1):
        wid = _wid()
        gv = (g0, g1)
        stags = (st0, st1)
        gsem = (gs0, gs1)
        osem = (os0, os1)

        pltpu.sync_copy(x_hbm.at[:, pl.ds(wid * bpw, bpw)], idx_v)
        iota = lax.iota(jnp.int32, 16)

        def start_gather(l, b):
            pltpu.async_copy(tab_hbm.at[idx_v.at[l]], gv[b], gsem[b])

        def wait_gather(l, b):
            pltpu.make_async_copy(
                tab_hbm.at[idx_v.at[l]], gv[b], gsem[b]
            ).wait()

        def out_slice(l, a):
            return out_hbm.at[
                pl.ds(((l * n_dtiles + a) * d + wid) * bpw * 8, bpw * 8)
            ]

        def start_out(l, b):
            for a in range(n_dtiles):
                pltpu.async_copy(
                    stags[b].at[pl.ds(a * bpw * 8, bpw * 8)],
                    out_slice(l, a),
                    osem[b],
                )

        def wait_out(l, b):
            for a in range(n_dtiles):
                pltpu.make_async_copy(
                    stags[b].at[pl.ds(a * bpw * 8, bpw * 8)],
                    out_slice(l, a),
                    osem[b],
                ).wait()

        jjs = [iota + 16 * jg for jg in range(bpw // 16)]

        def transpose(b):
            def tbody(t, carry):
                d_off = (iota + t) & 15
                work = []
                for dg in range(2):
                    dd = d_off + 16 * dg
                    dst_base = (dd >> 3) * (bpw * 8) + (dd & 7) * bpw
                    for jg in range(bpw // 16):
                        val = plsc.load_gather(gv[b], [jjs[jg], dd])
                        work.append((dst_base + jjs[jg], val))
                for addr, val in work:
                    plsc.store_scatter(stags[b], [addr], val)
                return carry

            lax.fori_loop(0, 16, tbody, 0)

        start_gather(0, 0)
        start_gather(1, 1)

        def pair_body(p, carry):
            for b in (0, 1):
                l = 2 * p + b
                wait_gather(l, b)

                @pl.when(l >= 2)
                def _():
                    wait_out(l - 2, b)

                transpose(b)
                start_out(l, b)

                @pl.when(l + 2 < ll)
                def _():
                    start_gather(l + 2, b)

            return carry

        lax.fori_loop(0, ll // 2, pair_body, 0)
        wait_out(ll - 2, 0)
        wait_out(ll - 1, 1)

    return emb(xt, table)


def kernel(x, table):
    b, l = x.shape
    v, d = table.shape
    n_full = (v // 128) * 128
    tail_lin = table[n_full:, :].reshape((v - n_full) * d)
    table_lin = _untile(table.T, tail_lin).reshape(v, d)
    out1d = _embed_native(x.T, table_lin)
    t5 = out1d.reshape(l, d // 8, b // 128, 8, 128)
    return t5.transpose(2, 4, 0, 1, 3).reshape(b, l, d)

# --- scband reference (transcript-rebuilt; emitter-appended) ---
"""Pipeline reference for scband-word-embedding-54649163874855 (READ-ONLY COPY).

The authoritative reference and input builder live on the scoring server;
editing this copy changes nothing except your own understanding.
"""

import jax, jax.numpy as jnp
import numpy as np

VOCAB = 1000000
DIM = 32
B = 4096
L = 200


def setup_inputs(seed: int = 0) -> dict:
    key = jax.random.key(seed)
    k_idx, k_tab = jax.random.split(key)
    x = jax.random.randint(k_idx, (B, L), 0, VOCAB, dtype=jnp.int64 if jax.config.jax_enable_x64 else jnp.int32).astype(jnp.int32)
    # Embedding table; padding_idx=0 row initialized to zeros (torch nn.Embedding padding_idx behavior)
    table = jax.random.normal(k_tab, (VOCAB, DIM), dtype=jnp.float32) * 0.02
    table = table.at[0].set(0.0)
    return {"x": x, "table": table}


def reference(x, table):
    # WordEmbedding.forward: self.embedding(x) -> row gather from the table
    return jnp.take(table, x, axis=0)

if __name__ == "__main__":
    import jax
    _d = setup_inputs()
    print(jax.jit(kernel)(*tuple(_d.values())))

</pallas_src>

<mosaic_0001>
#map = affine_map<(d0, d1) -> (0, 0)>
#map1 = affine_map<(d0, d1) -> (0)>
module attributes {stable_mosaic.version = 14 : i64} {
  func.func @untile(%arg0: i32, %arg1: i32, %arg2: memref<32x1000000xf32, #tpu.memory_space<hbm>>, %arg3: memref<2048xf32, #tpu.memory_space<hbm>>, %arg4: memref<32000000xf32, #tpu.memory_space<hbm>>, %arg5: memref<32x256xf32, #tpu.memory_space<vmem>>, %arg6: memref<32x256xf32, #tpu.memory_space<vmem>>, %arg7: memref<8192xf32, #tpu.memory_space<vmem>>, %arg8: memref<8192xf32, #tpu.memory_space<vmem>>, %arg9: memref<!tpu.dma_semaphore, #tpu.memory_space<semaphore_mem>>, %arg10: memref<!tpu.dma_semaphore, #tpu.memory_space<semaphore_mem>>, %arg11: memref<!tpu.dma_semaphore, #tpu.memory_space<semaphore_mem>>, %arg12: memref<!tpu.dma_semaphore, #tpu.memory_space<semaphore_mem>>) attributes {dimension_semantics = [#tpu.dimension_semantics<core_parallel>, #tpu.dimension_semantics<subcore_parallel>], iteration_bounds = array<i64: 2, 16>, scalar_prefetch = 0 : i64, scratch_operands = 8 : i64, tpu.core_type = #tpu.core_type<sc_vector_subcore>, window_params = [{transform_indices = #map}, {transform_indices = #map1}, {transform_indices = #map1}]} {
    %mul3A = arith.constant 2 : i32
    %mul3A_0 = arith.muli %arg1, %mul3A : i32
    %add3A = arith.addi %mul3A_0, %arg0 : i32
    %add3A_1 = arith.constant 0 : i32
    %add3A_2 = arith.addi %add3A, %add3A_1 : i32
    %mul3A_3 = arith.constant 256 : i32
    %mul3A_4 = arith.muli %add3A_2, %mul3A_3 : i32
    %dma_start3A = arith.constant 0 : i32
    %dma_start3A_5 = tpu.memref_slice %arg2[%dma_start3A, %mul3A_4] : memref<32x1000000xf32, #tpu.memory_space<hbm>> -> memref<32x256xf32, #tpu.memory_space<hbm>>
    %dma_start3A_6 = arith.constant 0 : i32
    %dma_start3A_7 = tpu.memref_slice %arg2[%dma_start3A_6, %mul3A_4] : memref<32x1000000xf32, #tpu.memory_space<hbm>> -> memref<32x256xf32, #tpu.memory_space<hbm>>
    tpu.enqueue_dma source(%dma_start3A_7 : memref<32x256xf32, #tpu.memory_space<hbm>>) target(%arg5 : memref<32x256xf32, #tpu.memory_space<vmem>>) target_semaphore(%arg9 : memref<!tpu.dma_semaphore, #tpu.memory_space<semaphore_mem>>)
    %add3A_8 = arith.constant 32 : i32
    %add3A_9 = arith.addi %add3A, %add3A_8 : i32
    %mul3A_10 = arith.constant 256 : i32
    %mul3A_11 = arith.muli %add3A_9, %mul3A_10 : i32
    %dma_start3A_12 = arith.constant 0 : i32
    %dma_start3A_13 = tpu.memref_slice %arg2[%dma_start3A_12, %mul3A_11] : memref<32x1000000xf32, #tpu.memory_space<hbm>> -> memref<32x256xf32, #tpu.memory_space<hbm>>
    %dma_start3A_14 = arith.constant 0 : i32
    %dma_start3A_15 = tpu.memref_slice %arg2[%dma_start3A_14, %mul3A_11] : memref<32x1000000xf32, #tpu.memory_space<hbm>> -> memref<32x256xf32, #tpu.memory_space<hbm>>
    tpu.enqueue_dma source(%dma_start3A_15 : memref<32x256xf32, #tpu.memory_space<hbm>>) target(%arg6 : memref<32x256xf32, #tpu.memory_space<vmem>>) target_semaphore(%arg10 : memref<!tpu.dma_semaphore, #tpu.memory_space<semaphore_mem>>)
    %scan3A = arith.constant 0 : i32
    %scan3A_16 = arith.constant 0 : i32
    %scan3A_17 = arith.constant 61 : i32
    %scan3A_18 = arith.addi %scan3A_16, %scan3A_17 : i32
    %scan3A_19 = arith.constant 1 : i32
    scf.for %scan3A_42 = %scan3A_16 to %scan3A_18 step %scan3A_19  : i32 {
      %mul3A_43 = arith.constant 2 : i32
      %mul3A_44 = arith.muli %mul3A_43, %scan3A_42 : i32
      %add3A_45 = arith.constant 0 : i32
      %add3A_46 = arith.addi %mul3A_44, %add3A_45 : i32
      %mul3A_47 = arith.constant 32 : i32
      %mul3A_48 = arith.muli %mul3A_47, %add3A_46 : i32
      %add3A_49 = arith.addi %add3A, %mul3A_48 : i32
      %mul3A_50 = arith.constant 256 : i32
      %mul3A_51 = arith.muli %add3A_49, %mul3A_50 : i32
      %dma_wait3A_52 = arith.constant 0 : i32
      %dma_wait3A_53 = tpu.memref_slice %arg2[%dma_wait3A_52, %mul3A_51] : memref<32x1000000xf32, #tpu.memory_space<hbm>> -> memref<32x256xf32, #tpu.memory_space<hbm>>
      %dma_wait3A_54 = arith.constant 0 : i32
      %dma_wait3A_55 = tpu.memref_slice %arg2[%dma_wait3A_54, %mul3A_51] : memref<32x1000000xf32, #tpu.memory_space<hbm>> -> memref<32x256xf32, #tpu.memory_space<hbm>>
      tpu.wait_dma2 semaphore(%arg9 : memref<!tpu.dma_semaphore, #tpu.memory_space<semaphore_mem>>) src(%dma_wait3A_55 : memref<32x256xf32, #tpu.memory_space<hbm>>) dst(%arg5 : memref<32x256xf32, #tpu.memory_space<vmem>>)
      %ge3A = arith.constant 2 : i32
      %ge3A_56 = arith.cmpi sge, %add3A_46, %ge3A : i32
      %convert_element_type3A_57 = arith.extui %ge3A_56 : i1 to i32
      %cond3A_58 = arith.constant 0 : i32
      %cond3A_59 = arith.cmpi ne, %convert_element_type3A_57, %cond3A_58 : i32
      scf.if %cond3A_59 {
        %sub3A = arith.constant 2 : i32
        %sub3A_315 = arith.subi %add3A_46, %sub3A : i32
        %mul3A_316 = arith.constant 32 : i32
        %mul3A_317 = arith.muli %mul3A_316, %sub3A_315 : i32
        %add3A_318 = arith.addi %add3A, %mul3A_317 : i32
        %mul3A_319 = arith.constant 256 : i32
        %mul3A_320 = arith.muli %add3A_318, %mul3A_319 : i32
        %mul3A_321 = arith.constant 32 : i32
        %mul3A_322 = arith.muli %mul3A_320, %mul3A_321 : i32
        %dma_wait3A_323 = tpu.memref_slice %arg4[%mul3A_322] : memref<32000000xf32, #tpu.memory_space<hbm>> -> memref<8192xf32, #tpu.memory_space<hbm>>
        %dma_wait3A_324 = tpu.memref_slice %arg4[%mul3A_322] : memref<32000000xf32, #tpu.memory_space<hbm>> -> memref<8192xf32, #tpu.memory_space<hbm>>
        tpu.wait_dma2 semaphore(%arg11 : memref<!tpu.dma_semaphore, #tpu.memory_space<semaphore_mem>>) src(%arg7 : memref<8192xf32, #tpu.memory_space<vmem>>) dst(%dma_wait3A_324 : memref<8192xf32, #tpu.memory_space<hbm>>)
      } else {
      }
      %iota3A = tpu.iota {dimensions = array<i32: 0>} : vector<16xi32>
      %add3A_60 = arith.constant 0 : i32
      %add3A_61 = vector.broadcast %add3A_60 : i32 to vector<16xi32>
      %add3A_62 = arith.addi %iota3A, %add3A_61 : vector<16xi32>
      %add3A_63 = arith.constant 16 : i32
      %add3A_64 = vector.broadcast %add3A_63 : i32 to vector<16xi32>
      %add3A_65 = arith.addi %iota3A, %add3A_64 : vector<16xi32>
      %add3A_66 = arith.constant 32 : i32
      %add3A_67 = vector.broadcast %add3A_66 : i32 to vector<16xi32>
      %add3A_68 = arith.addi %iota3A, %add3A_67 : vector<16xi32>
      %add3A_69 = arith.constant 48 : i32
      %add3A_70 = vector.broadcast %add3A_69 : i32 to vector<16xi32>
      %add3A_71 = arith.addi %iota3A, %add3A_70 : vector<16xi32>
      %add3A_72 = arith.constant 64 : i32
      %add3A_73 = vector.broadcast %add3A_72 : i32 to vector<16xi32>
      %add3A_74 = arith.addi %iota3A, %add3A_73 : vector<16xi32>
      %add3A_75 = arith.constant 80 : i32
      %add3A_76 = vector.broadcast %add3A_75 : i32 to vector<16xi32>
      %add3A_77 = arith.addi %iota3A, %add3A_76 : vector<16xi32>
      %add3A_78 = arith.constant 96 : i32
      %add3A_79 = vector.broadcast %add3A_78 : i32 to vector<16xi32>
      %add3A_80 = arith.addi %iota3A, %add3A_79 : vector<16xi32>
      %add3A_81 = arith.constant 112 : i32
      %add3A_82 = vector.broadcast %add3A_81 : i32 to vector<16xi32>
      %add3A_83 = arith.addi %iota3A, %add3A_82 : vector<16xi32>
      %add3A_84 = arith.constant 128 : i32
      %add3A_85 = vector.broadcast %add3A_84 : i32 to vector<16xi32>
      %add3A_86 = arith.addi %iota3A, %add3A_85 : vector<16xi32>
      %add3A_87 = arith.constant 144 : i32
      %add3A_88 = vector.broadcast %add3A_87 : i32 to vector<16xi32>
      %add3A_89 = arith.addi %iota3A, %add3A_88 : vector<16xi32>
      %add3A_90 = arith.constant 160 : i32
      %add3A_91 = vector.broadcast %add3A_90 : i32 to vector<16xi32>
      %add3A_92 = arith.addi %iota3A, %add3A_91 : vector<16xi32>
      %add3A_93 = arith.constant 176 : i32
      %add3A_94 = vector.broadcast %add3A_93 : i32 to vector<16xi32>
      %add3A_95 = arith.addi %iota3A, %add3A_94 : vector<16xi32>
      %add3A_96 = arith.constant 192 : i32
      %add3A_97 = vector.broadcast %add3A_96 : i32 to vector<16xi32>
      %add3A_98 = arith.addi %iota3A, %add3A_97 : vector<16xi32>
      %add3A_99 = arith.constant 208 : i32
      %add3A_100 = vector.broadcast %add3A_99 : i32 to vector<16xi32>
      %add3A_101 = arith.addi %iota3A, %add3A_100 : vector<16xi32>
      %add3A_102 = arith.constant 224 : i32
      %add3A_103 = vector.broadcast %add3A_102 : i32 to vector<16xi32>
      %add3A_104 = arith.addi %iota3A, %add3A_103 : vector<16xi32>
      %add3A_105 = arith.constant 240 : i32
      %add3A_106 = vector.broadcast %add3A_105 : i32 to vector<16xi32>
      %add3A_107 = arith.addi %iota3A, %add3A_106 : vector<16xi32>
      %mul3A_108 = arith.constant 32 : i32
      %mul3A_109 = vector.broadcast %mul3A_108 : i32 to vector<16xi32>
      %mul3A_110 = arith.muli %add3A_62, %mul3A_109 : vector<16xi32>
      %mul3A_111 = arith.constant 32 : i32
      %mul3A_112 = vector.broadcast %mul3A_111 : i32 to vector<16xi32>
      %mul3A_113 = arith.muli %add3A_65, %mul3A_112 : vector<16xi32>
      %mul3A_114 = arith.constant 32 : i32
      %mul3A_115 = vector.broadcast %mul3A_114 : i32 to vector<16xi32>
      %mul3A_116 = arith.muli %add3A_68, %mul3A_115 : vector<16xi32>
      %mul3A_117 = arith.constant 32 : i32
      %mul3A_118 = vector.broadcast %mul3A_117 : i32 to vector<16xi32>
      %mul3A_119 = arith.muli %add3A_71, %mul3A_118 : vector<16xi32>
      %mul3A_120 = arith.constant 32 : i32
      %mul3A_121 = vector.broadcast %mul3A_120 : i32 to vector<16xi32>
      %mul3A_122 = arith.muli %add3A_74, %mul3A_121 : vector<16xi32>
      %mul3A_123 = arith.constant 32 : i32
      %mul3A_124 = vector.broadcast %mul3A_123 : i32 to vector<16xi32>
      %mul3A_125 = arith.muli %add3A_77, %mul3A_124 : vector<16xi32>
      %mul3A_126 = arith.constant 32 : i32
      %mul3A_127 = vector.broadcast %mul3A_126 : i32 to vector<16xi32>
      %mul3A_128 = arith.muli %add3A_80, %mul3A_127 : vector<16xi32>
      %mul3A_129 = arith.constant 32 : i32
      %mul3A_130 = vector.broadcast %mul3A_129 : i32 to vector<16xi32>
      %mul3A_131 = arith.muli %add3A_83, %mul3A_130 : vector<16xi32>
      %mul3A_132 = arith.constant 32 : i32
      %mul3A_133 = vector.broadcast %mul3A_132 : i32 to vector<16xi32>
      %mul3A_134 = arith.muli %add3A_86, %mul3A_133 : vector<16xi32>
      %mul3A_135 = arith.constant 32 : i32
      %mul3A_136 = vector.broadcast %mul3A_135 : i32 to vector<16xi32>
      %mul3A_137 = arith.muli %add3A_89, %mul3A_136 : vector<16xi32>
      %mul3A_138 = arith.constant 32 : i32
      %mul3A_139 = vector.broadcast %mul3A_138 : i32 to vector<16xi32>
      %mul3A_140 = arith.muli %add3A_92, %mul3A_139 : vector<16xi32>
      %mul3A_141 = arith.constant 32 : i32
      %mul3A_142 = vector.broadcast %mul3A_141 : i32 to vector<16xi32>
      %mul3A_143 = arith.muli %add3A_95, %mul3A_142 : vector<16xi32>
      %mul3A_144 = arith.constant 32 : i32
      %mul3A_145 = vector.broadcast %mul3A_144 : i32 to vector<16xi32>
      %mul3A_146 = arith.muli %add3A_98, %mul3A_145 : vector<16xi32>
      %mul3A_147 = arith.constant 32 : i32
      %mul3A_148 = vector.broadcast %mul3A_147 : i32 to vector<16xi32>
      %mul3A_149 = arith.muli %add3A_101, %mul3A_148 : vector<16xi32>
      %mul3A_150 = arith.constant 32 : i32
      %mul3A_151 = vector.broadcast %mul3A_150 : i32 to vector<16xi32>
      %mul3A_152 = arith.muli %add3A_104, %mul3A_151 : vector<16xi32>
      %mul3A_153 = arith.constant 32 : i32
      %mul3A_154 = vector.broadcast %mul3A_153 : i32 to vector<16xi32>
      %mul3A_155 = arith.muli %add3A_107, %mul3A_154 : vector<16xi32>
      %scan3A_156 = arith.constant 0 : i32
      %scan3A_157 = arith.constant 0 : i32
      %scan3A_158 = arith.constant 16 : i32
      %scan3A_159 = arith.addi %scan3A_157, %scan3A_158 : i32
      %scan3A_160 = arith.constant 1 : i32
      scf.for %scan3A_315 = %scan3A_157 to %scan3A_159 step %scan3A_160  : i32 {
        %add3A_316 = vector.broadcast %scan3A_315 : i32 to vector<16xi32>
        %add3A_317 = arith.addi %iota3A, %add3A_316 : vector<16xi32>
        %and3A = arith.constant 15 : i32
        %and3A_318 = vector.broadcast %and3A : i32 to vector<16xi32>
        %and3A_319 = arith.andi %add3A_317, %and3A_318 : vector<16xi32>
        %add3A_320 = arith.constant 0 : i32
        %add3A_321 = vector.broadcast %add3A_320 : i32 to vector<16xi32>
        %add3A_322 = arith.addi %and3A_319, %add3A_321 : vector<16xi32>
        %gather3A = tpu.vector_load_idx %arg5[%add3A_322, %add3A_62] : memref<32x256xf32, #tpu.memory_space<vmem>>[vector<16xi32>, vector<16xi32>], vector<16xf32>,
        %add3A_323 = arith.addi %mul3A_110, %add3A_322 : vector<16xi32>
        %gather3A_324 = tpu.vector_load_idx %arg5[%add3A_322, %add3A_65] : memref<32x256xf32, #tpu.memory_space<vmem>>[vector<16xi32>, vector<16xi32>], vector<16xf32>,
        %add3A_325 = arith.addi %mul3A_113, %add3A_322 : vector<16xi32>
        %gather3A_326 = tpu.vector_load_idx %arg5[%add3A_322, %add3A_68] : memref<32x256xf32, #tpu.memory_space<vmem>>[vector<16xi32>, vector<16xi32>], vector<16xf32>,
        %add3A_327 = arith.addi %mul3A_116, %add3A_322 : vector<16xi32>
        %gather3A_328 = tpu.vector_load_idx %arg5[%add3A_322, %add3A_71] : memref<32x256xf32, #tpu.memory_space<vmem>>[vector<16xi32>, vector<16xi32>], vector<16xf32>,
        %add3A_329 = arith.addi %mul3A_119, %add3A_322 : vector<16xi32>
        %gather3A_330 = tpu.vector_load_idx %arg5[%add3A_322, %add3A_74] : memref<32x256xf32, #tpu.memory_space<vmem>>[vector<16xi32>, vector<16xi32>], vector<16xf32>,
        %add3A_331 = arith.addi %mul3A_122, %add3A_322 : vector<16xi32>
        %gather3A_332 = tpu.vector_load_idx %arg5[%add3A_322, %add3A_77] : memref<32x256xf32, #tpu.memory_space<vmem>>[vector<16xi32>, vector<16xi32>], vector<16xf32>,
        %add3A_333 = arith.addi %mul3A_125, %add3A_322 : vector<16xi32>
        %gather3A_334 = tpu.vector_load_idx %arg5[%add3A_322, %add3A_80] : memref<32x256xf32, #tpu.memory_space<vmem>>[vector<16xi32>, vector<16xi32>], vector<16xf32>,
        %add3A_335 = arith.addi %mul3A_128, %add3A_322 : vector<16xi32>
        %gather3A_336 = tpu.vector_load_idx %arg5[%add3A_322, %add3A_83] : memref<32x256xf32, #tpu.memory_space<vmem>>[vector<16xi32>, vector<16xi32>], vector<16xf32>,
        %add3A_337 = arith.addi %mul3A_131, %add3A_322 : vector<16xi32>
        %gather3A_338 = tpu.vector_load_idx %arg5[%add3A_322, %add3A_86] : memref<32x256xf32, #tpu.memory_space<vmem>>[vector<16xi32>, vector<16xi32>], vector<16xf32>,
        %add3A_339 = arith.addi %mul3A_134, %add3A_322 : vector<16xi32>
        %gather3A_340 = tpu.vector_load_idx %arg5[%add3A_322, %add3A_89] : memref<32x256xf32, #tpu.memory_space<vmem>>[vector<16xi32>, vector<16xi32>], vector<16xf32>,
        %add3A_341 = arith.addi %mul3A_137, %add3A_322 : vector<16xi32>
        %gather3A_342 = tpu.vector_load_idx %arg5[%add3A_322, %add3A_92] : memref<32x256xf32, #tpu.memory_space<vmem>>[vector<16xi32>, vector<16xi32>], vector<16xf32>,
        %add3A_343 = arith.addi %mul3A_140, %add3A_322 : vector<16xi32>
        %gather3A_344 = tpu.vector_load_idx %arg5[%add3A_322, %add3A_95] : memref<32x256xf32, #tpu.memory_space<vmem>>[vector<16xi32>, vector<16xi32>], vector<16xf32>,
        %add3A_345 = arith.addi %mul3A_143, %add3A_322 : vector<16xi32>
        %gather3A_346 = tpu.vector_load_idx %arg5[%add3A_322, %add3A_98] : memref<32x256xf32, #tpu.memory_space<vmem>>[vector<16xi32>, vector<16xi32>], vector<16xf32>,
        %add3A_347 = arith.addi %mul3A_146, %add3A_322 : vector<16xi32>
        %gather3A_348 = tpu.vector_load_idx %arg5[%add3A_322, %add3A_101] : memref<32x256xf32, #tpu.memory_space<vmem>>[vector<16xi32>, vector<16xi32>], vector<16xf32>,
        %add3A_349 = arith.addi %mul3A_149, %add3A_322 : vector<16xi32>
        %gather3A_350 = tpu.vector_load_idx %arg5[%add3A_322, %add3A_104] : memref<32x256xf32, #tpu.memory_space<vmem>>[vector<16xi32>, vector<16xi32>], vector<16xf32>,
        %add3A_351 = arith.addi %mul3A_152, %add3A_322 : vector<16xi32>
        %gather3A_352 = tpu.vector_load_idx %arg5[%add3A_322, %add3A_107] : memref<32x256xf32, #tpu.memory_space<vmem>>[vector<16xi32>, vector<16xi32>], vector<16xf32>,
        %add3A_353 = arith.addi %mul3A_155, %add3A_322 : vector<16xi32>
        %add3A_354 = arith.constant 16 : i32
        %add3A_355 = vector.broadcast %add3A_354 : i32 to vector<16xi32>
        %add3A_356 = arith.addi %and3A_319, %add3A_355 : vector<16xi32>
        %gather3A_357 = tpu.vector_load_idx %arg5[%add3A_356, %add3A_62] : memref<32x256xf32, #tpu.memory_space<vmem>>[vector<16xi32>, vector<16xi32>], vector<16xf32>,
        %add3A_358 = arith.addi %mul3A_110, %add3A_356 : vector<16xi32>
        %gather3A_359 = tpu.vector_load_idx %arg5[%add3A_356, %add3A_65] : memref<32x256xf32, #tpu.memory_space<vmem>>[vector<16xi32>, vector<16xi32>], vector<16xf32>,
        %add3A_360 = arith.addi %mul3A_113, %add3A_356 : vector<16xi32>
        %gather3A_361 = tpu.vector_load_idx %arg5[%add3A_356, %add3A_68] : memref<32x256xf32, #tpu.memory_space<vmem>>[vector<16xi32>, vector<16xi32>], vector<16xf32>,
        %add3A_362 = arith.addi %mul3A_116, %add3A_356 : vector<16xi32>
        %gather3A_363 = tpu.vector_load_idx %arg5[%add3A_356, %add3A_71] : memref<32x256xf32, #tpu.memory_space<vmem>>[vector<16xi32>, vector<16xi32>], vector<16xf32>,
        %add3A_364 = arith.addi %mul3A_119, %add3A_356 : vector<16xi32>
        %gather3A_365 = tpu.vector_load_idx %arg5[%add3A_356, %add3A_74] : memref<32x256xf32, #tpu.memory_space<vmem>>[vector<16xi32>, vector<16xi32>], vector<16xf32>,
        %add3A_366 = arith.addi %mul3A_122, %add3A_356 : vector<16xi32>
        %gather3A_367 = tpu.vector_load_idx %arg5[%add3A_356, %add3A_77] : memref<32x256xf32, #tpu.memory_space<vmem>>[vector<16xi32>, vector<16xi32>], vector<16xf32>,
        %add3A_368 = arith.addi %mul3A_125, %add3A_356 : vector<16xi32>
        %gather3A_369 = tpu.vector_load_idx %arg5[%add3A_356, %add3A_80] : memref<32x256xf32, #tpu.memory_space<vmem>>[vector<16xi32>, vector<16xi32>], vector<16xf32>,
        %add3A_370 = arith.addi %mul3A_128, %add3A_356 : vector<16xi32>
        %gather3A_371 = tpu.vector_load_idx %arg5[%add3A_356, %add3A_83] : memref<32x256xf32, #tpu.memory_space<vmem>>[vector<16xi32>, vector<16xi32>], vector<16xf32>,
        %add3A_372 = arith.addi %mul3A_131, %add3A_356 : vector<16xi32>
        %gather3A_373 = tpu.vector_load_idx %arg5[%add3A_356, %add3A_86] : memref<32x256xf32, #tpu.memory_space<vmem>>[vector<16xi32>, vector<16xi32>], vector<16xf32>,
        %add3A_374 = arith.addi %mul3A_134, %add3A_356 : vector<16xi32>
        %gather3A_375 = tpu.vector_load_idx %arg5[%add3A_356, %add3A_89] : memref<32x256xf32, #tpu.memory_space<vmem>>[vector<16xi32>, vector<16xi32>], vector<16xf32>,
        %add3A_376 = arith.addi %mul3A_137, %add3A_356 : vector<16xi32>
        %gather3A_377 = tpu.vector_load_idx %arg5[%add3A_356, %add3A_92] : memref<32x256xf32, #tpu.memory_space<vmem>>[vector<16xi32>, vector<16xi32>], vector<16xf32>,
        %add3A_378 = arith.addi %mul3A_140, %add3A_356 : vector<16xi32>
        %gather3A_379 = tpu.vector_load_idx %arg5[%add3A_356, %add3A_95] : memref<32x256xf32, #tpu.memory_space<vmem>>[vector<16xi32>, vector<16xi32>], vector<16xf32>,
        %add3A_380 = arith.addi %mul3A_143, %add3A_356 : vector<16xi32>
        %gather3A_381 = tpu.vector_load_idx %arg5[%add3A_356, %add3A_98] : memref<32x256xf32, #tpu.memory_space<vmem>>[vector<16xi32>, vector<16xi32>], vector<16xf32>,
        %add3A_382 = arith.addi %mul3A_146, %add3A_356 : vector<16xi32>
        %gather3A_383 = tpu.vector_load_idx %arg5[%add3A_356, %add3A_101] : memref<32x256xf32, #tpu.memory_space<vmem>>[vector<16xi32>, vector<16xi32>], vector<16xf32>,
        %add3A_384 = arith.addi %mul3A_149, %add3A_356 : vector<16xi32>
        %gather3A_385 = tpu.vector_load_idx %arg5[%add3A_356, %add3A_104] : memref<32x256xf32, #tpu.memory_space<vmem>>[vector<16xi32>, vector<16xi32>], vector<16xf32>,
        %add3A_386 = arith.addi %mul3A_152, %add3A_356 : vector<16xi32>
        %gather3A_387 = tpu.vector_load_idx %arg5[%add3A_356, %add3A_107] : memref<32x256xf32, #tpu.memory_space<vmem>>[vector<16xi32>, vector<16xi32>], vector<16xf32>,
        %add3A_388 = arith.addi %mul3A_155, %add3A_356 : vector<16xi32>
        tpu.vector_store_idx %arg7[%add3A_323], %gather3A : memref<8192xf32, #tpu.memory_space<vmem>>[vector<16xi32>], vector<16xf32>,
        tpu.vector_store_idx %arg7[%add3A_325], %gather3A_324 : memref<8192xf32, #tpu.memory_space<vmem>>[vector<16xi32>], vector<16xf32>,
        tpu.vector_store_idx %arg7[%add3A_327], %gather3A_326 : memref<8192xf32, #tpu.memory_space<vmem>>[vector<16xi32>], vector<16xf32>,
        tpu.vector_store_idx %arg7[%add3A_329], %gather3A_328 : memref<8192xf32, #tpu.memory_space<vmem>>[vector<16xi32>], vector<16xf32>,
        tpu.vector_store_idx %arg7[%add3A_331], %gather3A_330 : memref<8192xf32, #tpu.memory_space<vmem>>[vector<16xi32>], vector<16xf32>,
        tpu.vector_store_idx %arg7[%add3A_333], %gather3A_332 : memref<8192xf32, #tpu.memory_space<vmem>>[vector<16xi32>], vector<16xf32>,
        tpu.vector_store_idx %arg7[%add3A_335], %gather3A_334 : memref<8192xf32, #tpu.memory_space<vmem>>[vector<16xi32>], vector<16xf32>,
        tpu.vector_store_idx %arg7[%add3A_337], %gather3A_336 : memref<8192xf32, #tpu.memory_space<vmem>>[vector<16xi32>], vector<16xf32>,
        tpu.vector_store_idx %arg7[%add3A_339], %gather3A_338 : memref<8192xf32, #tpu.memory_space<vmem>>[vector<16xi32>], vector<16xf32>,
        tpu.vector_store_idx %arg7[%add3A_341], %gather3A_340 : memref<8192xf32, #tpu.memory_space<vmem>>[vector<16xi32>], vector<16xf32>,
        tpu.vector_store_idx %arg7[%add3A_343], %gather3A_342 : memref<8192xf32, #tpu.memory_space<vmem>>[vector<16xi32>], vector<16xf32>,
        tpu.vector_store_idx %arg7[%add3A_345], %gather3A_344 : memref<8192xf32, #tpu.memory_space<vmem>>[vector<16xi32>], vector<16xf32>,
        tpu.vector_store_idx %arg7[%add3A_347], %gather3A_346 : memref<8192xf32, #tpu.memory_space<vmem>>[vector<16xi32>], vector<16xf32>,
        tpu.vector_store_idx %arg7[%add3A_349], %gather3A_348 : memref<8192xf32, #tpu.memory_space<vmem>>[vector<16xi32>], vector<16xf32>,
        tpu.vector_store_idx %arg7[%add3A_351], %gather3A_350 : memref<8192xf32, #tpu.memory_space<vmem>>[vector<16xi32>], vector<16xf32>,
        tpu.vector_store_idx %arg7[%add3A_353], %gather3A_352 : memref<8192xf32, #tpu.memory_space<vmem>>[vector<16xi32>], vector<16xf32>,
        tpu.vector_store_idx %arg7[%add3A_358], %gather3A_357 : memref<8192xf32, #tpu.memory_space<vmem>>[vector<16xi32>], vector<16xf32>,
        tpu.vector_store_idx %arg7[%add3A_360], %gather3A_359 : memref<8192xf32, #tpu.memory_space<vmem>>[vector<16xi32>], vector<16xf32>,
        tpu.vector_store_idx %arg7[%add3A_362], %gather3A_361 : memref<8192xf32, #tpu.memory_space<vmem>>[vector<16xi32>], vector<16xf32>,
        tpu.vector_store_idx %arg7[%add3A_364], %gather3A_363 : memref<8192xf32, #tpu.memory_space<vmem>>[vector<16xi32>], vector<16xf32>,
        tpu.vector_store_idx %arg7[%add3A_366], %gather3A_365 : memref<8192xf32, #tpu.memory_space<vmem>>[vector<16xi32>], vector<16xf32>,
        tpu.vector_store_idx %arg7[%add3A_368], %gather3A_367 : memref<8192xf32, #tpu.memory_space<vmem>>[vector<16xi32>], vector<16xf32>,
        tpu.vector_store_idx %arg7[%add3A_370], %gather3A_369 : memref<8192xf32, #tpu.memory_space<vmem>>[vector<16xi32>], vector<16xf32>,
        tpu.vector_store_idx %arg7[%add3A_372], %gather3A_371 : memref<8192xf32, #tpu.memory_space<vmem>>[vector<16xi32>], vector<16xf32>,
        tpu.vector_store_idx %arg7[%add3A_374], %gather3A_373 : memref<8192xf32, #tpu.memory_space<vmem>>[vector<16xi32>], vector<16xf32>,
        tpu.vector_store_idx %arg7[%add3A_376], %gather3A_375 : memref<8192xf32, #tpu.memory_space<vmem>>[vector<16xi32>], vector<16xf32>,
        tpu.vector_store_idx %arg7[%add3A_378], %gather3A_377 : memref<8192xf32, #tpu.memory_space<vmem>>[vector<16xi32>], vector<16xf32>,
        tpu.vector_store_idx %arg7[%add3A_380], %gather3A_379 : memref<8192xf32, #tpu.memory_space<vmem>>[vector<16xi32>], vector<16xf32>,
        tpu.vector_store_idx %arg7[%add3A_382], %gather3A_381 : memref<8192xf32, #tpu.memory_space<vmem>>[vector<16xi32>], vector<16xf32>,
        tpu.vector_store_idx %arg7[%add3A_384], %gather3A_383 : memref<8192xf32, #tpu.memory_space<vmem>>[vector<16xi32>], vector<16xf32>,
        tpu.vector_store_idx %arg7[%add3A_386], %gather3A_385 : memref<8192xf32, #tpu.memory_space<vmem>>[vector<16xi32>], vector<16xf32>,
        tpu.vector_store_idx %arg7[%add3A_388], %gather3A_387 : memref<8192xf32, #tpu.memory_space<vmem>>[vector<16xi32>], vector<16xf32>,
      }
      %scan3A_161 = arith.constant 16 : i32
      %mul3A_162 = arith.constant 32 : i32
      %mul3A_163 = arith.muli %mul3A_162, %add3A_46 : i32
      %add3A_164 = arith.addi %add3A, %mul3A_163 : i32
      %mul3A_165 = arith.constant 256 : i32
      %mul3A_166 = arith.muli %add3A_164, %mul3A_165 : i32
      %mul3A_167 = arith.constant 32 : i32
      %mul3A_168 = arith.muli %mul3A_166, %mul3A_167 : i32
      %dma_start3A_169 = tpu.memref_slice %arg4[%mul3A_168] : memref<32000000xf32, #tpu.memory_space<hbm>> -> memref<8192xf32, #tpu.memory_space<hbm>>
      %dma_start3A_170 = tpu.memref_slice %arg4[%mul3A_168] : memref<32000000xf32, #tpu.memory_space<hbm>> -> memref<8192xf32, #tpu.memory_space<hbm>>
      tpu.enqueue_dma source(%arg7 : memref<8192xf32, #tpu.memory_space<vmem>>) target(%dma_start3A_170 : memref<8192xf32, #tpu.memory_space<hbm>>) target_semaphore(%arg11 : memref<!tpu.dma_semaphore, #tpu.memory_space<semaphore_mem>>)
      %add3A_171 = arith.constant 2 : i32
      %add3A_172 = arith.addi %add3A_46, %add3A_171 : i32
      %lt3A_173 = arith.constant 122 : i32
      %lt3A_174 = arith.cmpi slt, %add3A_172, %lt3A_173 : i32
      %convert_element_type3A_175 = arith.extui %lt3A_174 : i1 to i32
      %cond3A_176 = arith.constant 0 : i32
      %cond3A_177 = arith.cmpi ne, %convert_element_type3A_175, %cond3A_176 : i32
      scf.if %cond3A_177 {
        %add3A_315 = arith.constant 2 : i32
        %add3A_316 = arith.addi %add3A_46, %add3A_315 : i32
        %mul3A_317 = arith.constant 32 : i32
        %mul3A_318 = arith.muli %mul3A_317, %add3A_316 : i32
        %add3A_319 = arith.addi %add3A, %mul3A_318 : i32
        %mul3A_320 = arith.constant 256 : i32
        %mul3A_321 = arith.muli %add3A_319, %mul3A_320 : i32
        %dma_start3A_322 = arith.constant 0 : i32
        %dma_start3A_323 = tpu.memref_slice %arg2[%dma_start3A_322, %mul3A_321] : memref<32x1000000xf32, #tpu.memory_space<hbm>> -> memref<32x256xf32, #tpu.memory_space<hbm>>
        %dma_start3A_324 = arith.constant 0 : i32
        %dma_start3A_325 = tpu.memref_slice %arg2[%dma_start3A_324, %mul3A_321] : memref<32x1000000xf32, #tpu.memory_space<hbm>> -> memref<32x256xf32, #tpu.memory_space<hbm>>
        tpu.enqueue_dma source(%dma_start3A_325 : memref<32x256xf32, #tpu.memory_space<hbm>>) target(%arg5 : memref<32x256xf32, #tpu.memory_space<vmem>>) target_semaphore(%arg9 : memref<!tpu.dma_semaphore, #tpu.memory_space<semaphore_mem>>)
      } else {
      }
      %mul3A_178 = arith.constant 2 : i32
      %mul3A_179 = arith.muli %mul3A_178, %scan3A_42 : i32
      %add3A_180 = arith.constant 1 : i32
      %add3A_181 = arith.addi %mul3A_179, %add3A_180 : i32
      %mul3A_182 = arith.constant 32 : i32
      %mul3A_183 = arith.muli %mul3A_182, %add3A_181 : i32
      %add3A_184 = arith.addi %add3A, %mul3A_183 : i32
      %mul3A_185 = arith.constant 256 : i32
      %mul3A_186 = arith.muli %add3A_184, %mul3A_185 : i32
      %dma_wait3A_187 = arith.constant 0 : i32
      %dma_wait3A_188 = tpu.memref_slice %arg2[%dma_wait3A_187, %mul3A_186] : memref<32x1000000xf32, #tpu.memory_space<hbm>> -> memref<32x256xf32, #tpu.memory_space<hbm>>
      %dma_wait3A_189 = arith.constant 0 : i32
      %dma_wait3A_190 = tpu.memref_slice %arg2[%dma_wait3A_189, %mul3A_186] : memref<32x1000000xf32, #tpu.memory_space<hbm>> -> memref<32x256xf32, #tpu.memory_space<hbm>>
      tpu.wait_dma2 semaphore(%arg10 : memref<!tpu.dma_semaphore, #tpu.memory_space<semaphore_mem>>) src(%dma_wait3A_190 : memref<32x256xf32, #tpu.memory_space<hbm>>) dst(%arg6 : memref<32x256xf32, #tpu.memory_space<vmem>>)
      %ge3A_191 = arith.constant 2 : i32
      %ge3A_192 = arith.cmpi sge, %add3A_181, %ge3A_191 : i32
      %convert_element_type3A_193 = arith.extui %ge3A_192 : i1 to i32
      %cond3A_194 = arith.constant 0 : i32
      %cond3A_195 = arith.cmpi ne, %convert_element_type3A_193, %cond3A_194 : i32
      scf.if %cond3A_195 {
        %sub3A = arith.constant 2 : i32
        %sub3A_315 = arith.subi %add3A_181, %sub3A : i32
        %mul3A_316 = arith.constant 32 : i32
        %mul3A_317 = arith.muli %mul3A_316, %sub3A_315 : i32
        %add3A_318 = arith.addi %add3A, %mul3A_317 : i32
        %mul3A_319 = arith.constant 256 : i32
        %mul3A_320 = arith.muli %add3A_318, %mul3A_319 : i32
        %mul3A_321 = arith.constant 32 : i32
        %mul3A_322 = arith.muli %mul3A_320, %mul3A_321 : i32
        %dma_wait3A_323 = tpu.memref_slice %arg4[%mul3A_322] : memref<32000000xf32, #tpu.memory_space<hbm>> -> memref<8192xf32, #tpu.memory_space<hbm>>
        %dma_wait3A_324 = tpu.memref_slice %arg4[%mul3A_322] : memref<32000000xf32, #tpu.memory_space<hbm>> -> memref<8192xf32, #tpu.memory_space<hbm>>
        tpu.wait_dma2 semaphore(%arg12 : memref<!tpu.dma_semaphore, #tpu.memory_space<semaphore_mem>>) src(%arg8 : memref<8192xf32, #tpu.memory_space<vmem>>) dst(%dma_wait3A_324 : memref<8192xf32, #tpu.memory_space<hbm>>)
      } else {
      }
      %iota3A_196 = tpu.iota {dimensions = array<i32: 0>} : vector<16xi32>
      %add3A_197 = arith.constant 0 : i32
      %add3A_198 = vector.broadcast %add3A_197 : i32 to vector<16xi32>
      %add3A_199 = arith.addi %iota3A_196, %add3A_198 : vector<16xi32>
      %add3A_200 = arith.constant 16 : i32
      %add3A_201 = vector.broadcast %add3A_200 : i32 to vector<16xi32>
      %add3A_202 = arith.addi %iota3A_196, %add3A_201 : vector<16xi32>
      %add3A_203 = arith.constant 32 : i32
      %add3A_204 = vector.broadcast %add3A_203 : i32 to vector<16xi32>
      %add3A_205 = arith.addi %iota3A_196, %add3A_204 : vector<16xi32>
      %add3A_206 = arith.constant 48 : i32
      %add3A_207 = vector.broadcast %add3A_206 : i32 to vector<16xi32>
      %add3A_208 = arith.addi %iota3A_196, %add3A_207 : vector<16xi32>
      %add3A_209 = arith.constant 64 : i32
      %add3A_210 = vector.broadcast %add3A_209 : i32 to vector<16xi32>
      %add3A_211 = arith.addi %iota3A_196, %add3A_210 : vector<16xi32>
      %add3A_212 = arith.constant 80 : i32
      %add3A_213 = vector.broadcast %add3A_212 : i32 to vector<16xi32>
      %add3A_214 = arith.addi %iota3A_196, %add3A_213 : vector<16xi32>
      %add3A_215 = arith.constant 96 : i32
      %add3A_216 = vector.broadcast %add3A_215 : i32 to vector<16xi32>
      %add3A_217 = arith.addi %iota3A_196, %add3A_216 : vector<16xi32>
      %add3A_218 = arith.constant 112 : i32
      %add3A_219 = vector.broadcast %add3A_218 : i32 to vector<16xi32>
      %add3A_220 = arith.addi %iota3A_196, %add3A_219 : vector<16xi32>
      %add3A_221 = arith.constant 128 : i32
      %add3A_222 = vector.broadcast %add3A_221 : i32 to vector<16xi32>
      %add3A_223 = arith.addi %iota3A_196, %add3A_222 : vector<16xi32>
      %add3A_224 = arith.constant 144 : i32
      %add3A_225 = vector.broadcast %add3A_224 : i32 to vector<16xi32>
      %add3A_226 = arith.addi %iota3A_196, %add3A_225 : vector<16xi32>
      %add3A_227 = arith.constant 160 : i32
      %add3A_228 = vector.broadcast %add3A_227 : i32 to vector<16xi32>
      %add3A_229 = arith.addi %iota3A_196, %add3A_228 : vector<16xi32>
      %add3A_230 = arith.constant 176 : i32
      %add3A_231 = vector.broadcast %add3A_230 : i32 to vector<16xi32>
      %add3A_232 = arith.addi %iota3A_196, %add3A_231 : vector<16xi32>
      %add3A_233 = arith.constant 192 : i32
      %add3A_234 = vector.broadcast %add3A_233 : i32 to vector<16xi32>
      %add3A_235 = arith.addi %iota3A_196, %add3A_234 : vector<16xi32>
      %add3A_236 = arith.constant 208 : i32
      %add3A_237 = vector.broadcast %add3A_236 : i32 to vector<16xi32>
      %add3A_238 = arith.addi %iota3A_196, %add3A_237 : vector<16xi32>
      %add3A_239 = arith.constant 224 : i32
      %add3A_240 = vector.broadcast %add3A_239 : i32 to vector<16xi32>
      %add3A_241 = arith.addi %iota3A_196, %add3A_240 : vector<16xi32>
      %add3A_242 = arith.constant 240 : i32
      %add3A_243 = vector.broadcast %add3A_242 : i32 to vector<16xi32>
      %add3A_244 = arith.addi %iota3A_196, %add3A_243 : vector<16xi32>
      %mul3A_245 = arith.constant 32 : i32
      %mul3A_246 = vector.broadcast %mul3A_245 : i32 to vector<16xi32>
      %mul3A_247 = arith.muli %add3A_199, %mul3A_246 : vector<16xi32>
      %mul3A_248 = arith.constant 32 : i32
      %mul3A_249 = vector.broadcast %mul3A_248 : i32 to vector<16xi32>
      %mul3A_250 = arith.muli %add3A_202, %mul3A_249 : vector<16xi32>
      %mul3A_251 = arith.constant 32 : i32
      %mul3A_252 = vector.broadcast %mul3A_251 : i32 to vector<16xi32>
      %mul3A_253 = arith.muli %add3A_205, %mul3A_252 : vector<16xi32>
      %mul3A_254 = arith.constant 32 : i32
      %mul3A_255 = vector.broadcast %mul3A_254 : i32 to vector<16xi32>
      %mul3A_256 = arith.muli %add3A_208, %mul3A_255 : vector<16xi32>
      %mul3A_257 = arith.constant 32 : i32
      %mul3A_258 = vector.broadcast %mul3A_257 : i32 to vector<16xi32>
      %mul3A_259 = arith.muli %add3A_211, %mul3A_258 : vector<16xi32>
      %mul3A_260 = arith.constant 32 : i32
      %mul3A_261 = vector.broadcast %mul3A_260 : i32 to vector<16xi32>
      %mul3A_262 = arith.muli %add3A_214, %mul3A_261 : vector<16xi32>
      %mul3A_263 = arith.constant 32 : i32
      %mul3A_264 = vector.broadcast %mul3A_263 : i32 to vector<16xi32>
      %mul3A_265 = arith.muli %add3A_217, %mul3A_264 : vector<16xi32>
      %mul3A_266 = arith.constant 32 : i32
      %mul3A_267 = vector.broadcast %mul3A_266 : i32 to vector<16xi32>
      %mul3A_268 = arith.muli %add3A_220, %mul3A_267 : vector<16xi32>
      %mul3A_269 = arith.constant 32 : i32
      %mul3A_270 = vector.broadcast %mul3A_269 : i32 to vector<16xi32>
      %mul3A_271 = arith.muli %add3A_223, %mul3A_270 : vector<16xi32>
      %mul3A_272 = arith.constant 32 : i32
      %mul3A_273 = vector.broadcast %mul3A_272 : i32 to vector<16xi32>
      %mul3A_274 = arith.muli %add3A_226, %mul3A_273 : vector<16xi32>
      %mul3A_275 = arith.constant 32 : i32
      %mul3A_276 = vector.broadcast %mul3A_275 : i32 to vector<16xi32>
      %mul3A_277 = arith.muli %add3A_229, %mul3A_276 : vector<16xi32>
      %mul3A_278 = arith.constant 32 : i32
      %mul3A_279 = vector.broadcast %mul3A_278 : i32 to vector<16xi32>
      %mul3A_280 = arith.muli %add3A_232, %mul3A_279 : vector<16xi32>
      %mul3A_281 = arith.constant 32 : i32
      %mul3A_282 = vector.broadcast %mul3A_281 : i32 to vector<16xi32>
      %mul3A_283 = arith.muli %add3A_235, %mul3A_282 : vector<16xi32>
      %mul3A_284 = arith.constant 32 : i32
      %mul3A_285 = vector.broadcast %mul3A_284 : i32 to vector<16xi32>
      %mul3A_286 = arith.muli %add3A_238, %mul3A_285 : vector<16xi32>
      %mul3A_287 = arith.constant 32 : i32
      %mul3A_288 = vector.broadcast %mul3A_287 : i32 to vector<16xi32>
      %mul3A_289 = arith.muli %add3A_241, %mul3A_288 : vector<16xi32>
      %mul3A_290 = arith.constant 32 : i32
      %mul3A_291 = vector.broadcast %mul3A_290 : i32 to vector<16xi32>
      %mul3A_292 = arith.muli %add3A_244, %mul3A_291 : vector<16xi32>
      %scan3A_293 = arith.constant 0 : i32
      %scan3A_294 = arith.constant 0 : i32
      %scan3A_295 = arith.constant 16 : i32
      %scan3A_296 = arith.addi %scan3A_294, %scan3A_295 : i32
      %scan3A_297 = arith.constant 1 : i32
      scf.for %scan3A_315 = %scan3A_294 to %scan3A_296 step %scan3A_297  : i32 {
        %add3A_316 = vector.broadcast %scan3A_315 : i32 to vector<16xi32>
        %add3A_317 = arith.addi %iota3A_196, %add3A_316 : vector<16xi32>
        %and3A = arith.constant 15 : i32
        %and3A_318 = vector.broadcast %and3A : i32 to vector<16xi32>
        %and3A_319 = arith.andi %add3A_317, %and3A_318 : vector<16xi32>
        %add3A_320 = arith.constant 0 : i32
        %add3A_321 = vector.broadcast %add3A_320 : i32 to vector<16xi32>
        %add3A_322 = arith.addi %and3A_319, %add3A_321 : vector<16xi32>
        %gather3A = tpu.vector_load_idx %arg6[%add3A_322, %add3A_199] : memref<32x256xf32, #tpu.memory_space<vmem>>[vector<16xi32>, vector<16xi32>], vector<16xf32>,
        %add3A_323 = arith.addi %mul3A_247, %add3A_322 : vector<16xi32>
        %gather3A_324 = tpu.vector_load_idx %arg6[%add3A_322, %add3A_202] : memref<32x256xf32, #tpu.memory_space<vmem>>[vector<16xi32>, vector<16xi32>], vector<16xf32>,
        %add3A_325 = arith.addi %mul3A_250, %add3A_322 : vector<16xi32>
        %gather3A_326 = tpu.vector_load_idx %arg6[%add3A_322, %add3A_205] : memref<32x256xf32, #tpu.memory_space<vmem>>[vector<16xi32>, vector<16xi32>], vector<16xf32>,
        %add3A_327 = arith.addi %mul3A_253, %add3A_322 : vector<16xi32>
        %gather3A_328 = tpu.vector_load_idx %arg6[%add3A_322, %add3A_208] : memref<32x256xf32, #tpu.memory_space<vmem>>[vector<16xi32>, vector<16xi32>], vector<16xf32>,
        %add3A_329 = arith.addi %mul3A_256, %add3A_322 : vector<16xi32>
        %gather3A_330 = tpu.vector_load_idx %arg6[%add3A_322, %add3A_211] : memref<32x256xf32, #tpu.memory_space<vmem>>[vector<16xi32>, vector<16xi32>], vector<16xf32>,
        %add3A_331 = arith.addi %mul3A_259, %add3A_322 : vector<16xi32>
        %gather3A_332 = tpu.vector_load_idx %arg6[%add3A_322, %add3A_214] : memref<32x256xf32, #tpu.memory_space<vmem>>[vector<16xi32>, vector<16xi32>], vector<16xf32>,
        %add3A_333 = arith.addi %mul3A_262, %add3A_322 : vector<16xi32>
        %gather3A_334 = tpu.vector_load_idx %arg6[%add3A_322, %add3A_217] : memref<32x256xf32, #tpu.memory_space<vmem>>[vector<16xi32>, vector<16xi32>], vector<16xf32>,
        %add3A_335 = arith.addi %mul3A_265, %add3A_322 : vector<16xi32>
        %gather3A_336 = tpu.vector_load_idx %arg6[%add3A_322, %add3A_220] : memref<32x256xf32, #tpu.memory_space<vmem>>[vector<16xi32>, vector<16xi32>], vector<16xf32>,
        %add3A_337 = arith.addi %mul3A_268, %add3A_322 : vector<16xi32>
        %gather3A_338 = tpu.vector_load_idx %arg6[%add3A_322, %add3A_223] : memref<32x256xf32, #tpu.memory_space<vmem>>[vector<16xi32>, vector<16xi32>], vector<16xf32>,
        %add3A_339 = arith.addi %mul3A_271, %add3A_322 : vector<16xi32>
        %gather3A_340 = tpu.vector_load_idx %arg6[%add3A_322, %add3A_226] : memref<32x256xf32, #tpu.memory_space<vmem>>[vector<16xi32>, vector<16xi32>], vector<16xf32>,
        %add3A_341 = arith.addi %mul3A_274, %add3A_322 : vector<16xi32>
        %gather3A_342 = tpu.vector_load_idx %arg6[%add3A_322, %add3A_229] : memref<32x256xf32, #tpu.memory_space<vmem>>[vector<16xi32>, vector<16xi32>], vector<16xf32>,
        %add3A_343 = arith.addi %mul3A_277, %add3A_322 : vector<16xi32>
        %gather3A_344 = tpu.vector_load_idx %arg6[%add3A_322, %add3A_232] : memref<32x256xf32, #tpu.memory_space<vmem>>[vector<16xi32>, vector<16xi32>], vector<16xf32>,
        %add3A_345 = arith.addi %mul3A_280, %add3A_322 : vector<16xi32>
        %gather3A_346 = tpu.vector_load_idx %arg6[%add3A_322, %add3A_235] : memref<32x256xf32, #tpu.memory_space<vmem>>[vector<16xi32>, vector<16xi32>], vector<16xf32>,
        %add3A_347 = arith.addi %mul3A_283, %add3A_322 : vector<16xi32>
        %gather3A_348 = tpu.vector_load_idx %arg6[%add3A_322, %add3A_238] : memref<32x256xf32, #tpu.memory_space<vmem>>[vector<16xi32>, vector<16xi32>], vector<16xf32>,
        %add3A_349 = arith.addi %mul3A_286, %add3A_322 : vector<16xi32>
        %gather3A_350 = tpu.vector_load_idx %arg6[%add3A_322, %add3A_241] : memref<32x256xf32, #tpu.memory_space<vmem>>[vector<16xi32>, vector<16xi32>], vector<16xf32>,
        %add3A_351 = arith.addi %mul3A_289, %add3A_322 : vector<16xi32>
        %gather3A_352 = tpu.vector_load_idx %arg6[%add3A_322, %add3A_244] : memref<32x256xf32, #tpu.memory_space<vmem>>[vector<16xi32>, vector<16xi32>], vector<16xf32>,
        %add3A_353 = arith.addi %mul3A_292, %add3A_322 : vector<16xi32>
        %add3A_354 = arith.constant 16 : i32
        %add3A_355 = vector.broadcast %add3A_354 : i32 to vector<16xi32>
        %add3A_356 = arith.addi %and3A_319, %add3A_355 : vector<16xi32>
        %gather3A_357 = tpu.vector_load_idx %arg6[%add3A_356, %add3A_199] : memref<32x256xf32, #tpu.memory_space<vmem>>[vector<16xi32>, vector<16xi32>], vector<16xf32>,
        %add3A_358 = arith.addi %mul3A_247, %add3A_356 : vector<16xi32>
        %gather3A_359 = tpu.vector_load_idx %arg6[%add3A_356, %add3A_202] : memref<32x256xf32, #tpu.memory_space<vmem>>[vector<16xi32>, vector<16xi32>], vector<16xf32>,
        %add3A_360 = arith.addi %mul3A_250, %add3A_356 : vector<16xi32>
        %gather3A_361 = tpu.vector_load_idx %arg6[%add3A_356, %add3A_205] : memref<32x256xf32, #tpu.memory_space<vmem>>[vector<16xi32>, vector<16xi32>], vector<16xf32>,
        %add3A_362 = arith.addi %mul3A_253, %add3A_356 : vector<16xi32>
        %gather3A_363 = tpu.vector_load_idx %arg6[%add3A_356, %add3A_208] : memref<32x256xf32, #tpu.memory_space<vmem>>[vector<16xi32>, vector<16xi32>], vector<16xf32>,
        %add3A_364 = arith.addi %mul3A_256, %add3A_356 : vector<16xi32>
        %gather3A_365 = tpu.vector_load_idx %arg6[%add3A_356, %add3A_211] : memref<32x256xf32, #tpu.memory_space<vmem>>[vector<16xi32>, vector<16xi32>], vector<16xf32>,
        %add3A_366 = arith.addi %mul3A_259, %add3A_356 : vector<16xi32>
        %gather3A_367 = tpu.vector_load_idx %arg6[%add3A_356, %add3A_214] : memref<32x256xf32, #tpu.memory_space<vmem>>[vector<16xi32>, vector<16xi32>], vector<16xf32>,
        %add3A_368 = arith.addi %mul3A_262, %add3A_356 : vector<16xi32>
        %gather3A_369 = tpu.vector_load_idx %arg6[%add3A_356, %add3A_217] : memref<32x256xf32, #tpu.memory_space<vmem>>[vector<16xi32>, vector<16xi32>], vector<16xf32>,
        %add3A_370 = arith.addi %mul3A_265, %add3A_356 : vector<16xi32>
        %gather3A_371 = tpu.vector_load_idx %arg6[%add3A_356, %add3A_220] : memref<32x256xf32, #tpu.memory_space<vmem>>[vector<16xi32>, vector<16xi32>], vector<16xf32>,
        %add3A_372 = arith.addi %mul3A_268, %add3A_356 : vector<16xi32>
        %gather3A_373 = tpu.vector_load_idx %arg6[%add3A_356, %add3A_223] : memref<32x256xf32, #tpu.memory_space<vmem>>[vector<16xi32>, vector<16xi32>], vector<16xf32>,
        %add3A_374 = arith.addi %mul3A_271, %add3A_356 : vector<16xi32>
        %gather3A_375 = tpu.vector_load_idx %arg6[%add3A_356, %add3A_226] : memref<32x256xf32, #tpu.memory_space<vmem>>[vector<16xi32>, vector<16xi32>], vector<16xf32>,
        %add3A_376 = arith.addi %mul3A_274, %add3A_356 : vector<16xi32>
        %gather3A_377 = tpu.vector_load_idx %arg6[%add3A_356, %add3A_229] : memref<32x256xf32, #tpu.memory_space<vmem>>[vector<16xi32>, vector<16xi32>], vector<16xf32>,
        %add3A_378 = arith.addi %mul3A_277, %add3A_356 : vector<16xi32>
        %gather3A_379 = tpu.vector_load_idx %arg6[%add3A_356, %add3A_232] : memref<32x256xf32, #tpu.memory_space<vmem>>[vector<16xi32>, vector<16xi32>], vector<16xf32>,
        %add3A_380 = arith.addi %mul3A_280, %add3A_356 : vector<16xi32>
        %gather3A_381 = tpu.vector_load_idx %arg6[%add3A_356, %add3A_235] : memref<32x256xf32, #tpu.memory_space<vmem>>[vector<16xi32>, vector<16xi32>], vector<16xf32>,
        %add3A_382 = arith.addi %mul3A_283, %add3A_356 : vector<16xi32>
        %gather3A_383 = tpu.vector_load_idx %arg6[%add3A_356, %add3A_238] : memref<32x256xf32, #tpu.memory_space<vmem>>[vector<16xi32>, vector<16xi32>], vector<16xf32>,
        %add3A_384 = arith.addi %mul3A_286, %add3A_356 : vector<16xi32>
        %gather3A_385 = tpu.vector_load_idx %arg6[%add3A_356, %add3A_241] : memref<32x256xf32, #tpu.memory_space<vmem>>[vector<16xi32>, vector<16xi32>], vector<16xf32>,
        %add3A_386 = arith.addi %mul3A_289, %add3A_356 : vector<16xi32>
        %gather3A_387 = tpu.vector_load_idx %arg6[%add3A_356, %add3A_244] : memref<32x256xf32, #tpu.memory_space<vmem>>[vector<16xi32>, vector<16xi32>], vector<16xf32>,
        %add3A_388 = arith.addi %mul3A_292, %add3A_356 : vector<16xi32>
        tpu.vector_store_idx %arg8[%add3A_323], %gather3A : memref<8192xf32, #tpu.memory_space<vmem>>[vector<16xi32>], vector<16xf32>,
        tpu.vector_store_idx %arg8[%add3A_325], %gather3A_324 : memref<8192xf32, #tpu.memory_space<vmem>>[vector<16xi32>], vector<16xf32>,
        tpu.vector_store_idx %arg8[%add3A_327], %gather3A_326 : memref<8192xf32, #tpu.memory_space<vmem>>[vector<16xi32>], vector<16xf32>,
        tpu.vector_store_idx %arg8[%add3A_329], %gather3A_328 : memref<8192xf32, #tpu.memory_space<vmem>>[vector<16xi32>], vector<16xf32>,
        tpu.vector_store_idx %arg8[%add3A_331], %gather3A_330 : memref<8192xf32, #tpu.memory_space<vmem>>[vector<16xi32>], vector<16xf32>,
        tpu.vector_store_idx %arg8[%add3A_333], %gather3A_332 : memref<8192xf32, #tpu.memory_space<vmem>>[vector<16xi32>], vector<16xf32>,
        tpu.vector_store_idx %arg8[%add3A_335], %gather3A_334 : memref<8192xf32, #tpu.memory_space<vmem>>[vector<16xi32>], vector<16xf32>,
        tpu.vector_store_idx %arg8[%add3A_337], %gather3A_336 : memref<8192xf32, #tpu.memory_space<vmem>>[vector<16xi32>], vector<16xf32>,
        tpu.vector_store_idx %arg8[%add3A_339], %gather3A_338 : memref<8192xf32, #tpu.memory_space<vmem>>[vector<16xi32>], vector<16xf32>,
        tpu.vector_store_idx %arg8[%add3A_341], %gather3A_340 : memref<8192xf32, #tpu.memory_space<vmem>>[vector<16xi32>], vector<16xf32>,
        tpu.vector_store_idx %arg8[%add3A_343], %gather3A_342 : memref<8192xf32, #tpu.memory_space<vmem>>[vector<16xi32>], vector<16xf32>,
        tpu.vector_store_idx %arg8[%add3A_345], %gather3A_344 : memref<8192xf32, #tpu.memory_space<vmem>>[vector<16xi32>], vector<16xf32>,
        tpu.vector_store_idx %arg8[%add3A_347], %gather3A_346 : memref<8192xf32, #tpu.memory_space<vmem>>[vector<16xi32>], vector<16xf32>,
        tpu.vector_store_idx %arg8[%add3A_349], %gather3A_348 : memref<8192xf32, #tpu.memory_space<vmem>>[vector<16xi32>], vector<16xf32>,
        tpu.vector_store_idx %arg8[%add3A_351], %gather3A_350 : memref<8192xf32, #tpu.memory_space<vmem>>[vector<16xi32>], vector<16xf32>,
        tpu.vector_store_idx %arg8[%add3A_353], %gather3A_352 : memref<8192xf32, #tpu.memory_space<vmem>>[vector<16xi32>], vector<16xf32>,
        tpu.vector_store_idx %arg8[%add3A_358], %gather3A_357 : memref<8192xf32, #tpu.memory_space<vmem>>[vector<16xi32>], vector<16xf32>,
        tpu.vector_store_idx %arg8[%add3A_360], %gather3A_359 : memref<8192xf32, #tpu.memory_space<vmem>>[vector<16xi32>], vector<16xf32>,
        tpu.vector_store_idx %arg8[%add3A_362], %gather3A_361 : memref<8192xf32, #tpu.memory_space<vmem>>[vector<16xi32>], vector<16xf32>,
        tpu.vector_store_idx %arg8[%add3A_364], %gather3A_363 : memref<8192xf32, #tpu.memory_space<vmem>>[vector<16xi32>], vector<16xf32>,
        tpu.vector_store_idx %arg8[%add3A_366], %gather3A_365 : memref<8192xf32, #tpu.memory_space<vmem>>[vector<16xi32>], vector<16xf32>,
        tpu.vector_store_idx %arg8[%add3A_368], %gather3A_367 : memref<8192xf32, #tpu.memory_space<vmem>>[vector<16xi32>], vector<16xf32>,
        tpu.vector_store_idx %arg8[%add3A_370], %gather3A_369 : memref<8192xf32, #tpu.memory_space<vmem>>[vector<16xi32>], vector<16xf32>,
        tpu.vector_store_idx %arg8[%add3A_372], %gather3A_371 : memref<8192xf32, #tpu.memory_space<vmem>>[vector<16xi32>], vector<16xf32>,
        tpu.vector_store_idx %arg8[%add3A_374], %gather3A_373 : memref<8192xf32, #tpu.memory_space<vmem>>[vector<16xi32>], vector<16xf32>,
        tpu.vector_store_idx %arg8[%add3A_376], %gather3A_375 : memref<8192xf32, #tpu.memory_space<vmem>>[vector<16xi32>], vector<16xf32>,
        tpu.vector_store_idx %arg8[%add3A_378], %gather3A_377 : memref<8192xf32, #tpu.memory_space<vmem>>[vector<16xi32>], vector<16xf32>,
        tpu.vector_store_idx %arg8[%add3A_380], %gather3A_379 : memref<8192xf32, #tpu.memory_space<vmem>>[vector<16xi32>], vector<16xf32>,
        tpu.vector_store_idx %arg8[%add3A_382], %gather3A_381 : memref<8192xf32, #tpu.memory_space<vmem>>[vector<16xi32>], vector<16xf32>,
        tpu.vector_store_idx %arg8[%add3A_384], %gather3A_383 : memref<8192xf32, #tpu.memory_space<vmem>>[vector<16xi32>], vector<16xf32>,
        tpu.vector_store_idx %arg8[%add3A_386], %gather3A_385 : memref<8192xf32, #tpu.memory_space<vmem>>[vector<16xi32>], vector<16xf32>,
        tpu.vector_store_idx %arg8[%add3A_388], %gather3A_387 : memref<8192xf32, #tpu.memory_space<vmem>>[vector<16xi32>], vector<16xf32>,
      }
      %scan3A_298 = arith.constant 16 : i32
      %mul3A_299 = arith.constant 32 : i32
      %mul3A_300 = arith.muli %mul3A_299, %add3A_181 : i32
      %add3A_301 = arith.addi %add3A, %mul3A_300 : i32
      %mul3A_302 = arith.constant 256 : i32
      %mul3A_303 = arith.muli %add3A_301, %mul3A_302 : i32
      %mul3A_304 = arith.constant 32 : i32
      %mul3A_305 = arith.muli %mul3A_303, %mul3A_304 : i32
      %dma_start3A_306 = tpu.memref_slice %arg4[%mul3A_305] : memref<32000000xf32, #tpu.memory_space<hbm>> -> memref<8192xf32, #tpu.memory_space<hbm>>
      %dma_start3A_307 = tpu.memref_slice %arg4[%mul3A_305] : memref<32000000xf32, #tpu.memory_space<hbm>> -> memref<8192xf32, #tpu.memory_space<hbm>>
      tpu.enqueue_dma source(%arg8 : memref<8192xf32, #tpu.memory_space<vmem>>) target(%dma_start3A_307 : memref<8192xf32, #tpu.memory_space<hbm>>) target_semaphore(%arg12 : memref<!tpu.dma_semaphore, #tpu.memory_space<semaphore_mem>>)
      %add3A_308 = arith.constant 2 : i32
      %add3A_309 = arith.addi %add3A_181, %add3A_308 : i32
      %lt3A_310 = arith.constant 122 : i32
      %lt3A_311 = arith.cmpi slt, %add3A_309, %lt3A_310 : i32
      %convert_element_type3A_312 = arith.extui %lt3A_311 : i1 to i32
      %cond3A_313 = arith.constant 0 : i32
      %cond3A_314 = arith.cmpi ne, %convert_element_type3A_312, %cond3A_313 : i32
      scf.if %cond3A_314 {
        %add3A_315 = arith.constant 2 : i32
        %add3A_316 = arith.addi %add3A_181, %add3A_315 : i32
        %mul3A_317 = arith.constant 32 : i32
        %mul3A_318 = arith.muli %mul3A_317, %add3A_316 : i32
        %add3A_319 = arith.addi %add3A, %mul3A_318 : i32
        %mul3A_320 = arith.constant 256 : i32
        %mul3A_321 = arith.muli %add3A_319, %mul3A_320 : i32
        %dma_start3A_322 = arith.constant 0 : i32
        %dma_start3A_323 = tpu.memref_slice %arg2[%dma_start3A_322, %mul3A_321] : memref<32x1000000xf32, #tpu.memory_space<hbm>> -> memref<32x256xf32, #tpu.memory_space<hbm>>
        %dma_start3A_324 = arith.constant 0 : i32
        %dma_start3A_325 = tpu.memref_slice %arg2[%dma_start3A_324, %mul3A_321] : memref<32x1000000xf32, #tpu.memory_space<hbm>> -> memref<32x256xf32, #tpu.memory_space<hbm>>
        tpu.enqueue_dma source(%dma_start3A_325 : memref<32x256xf32, #tpu.memory_space<hbm>>) target(%arg6 : memref<32x256xf32, #tpu.memory_space<vmem>>) target_semaphore(%arg10 : memref<!tpu.dma_semaphore, #tpu.memory_space<semaphore_mem>>)
      } else {
      }
    }
    %scan3A_20 = arith.constant 61 : i32
    %add3A_21 = arith.constant 3840 : i32
    %add3A_22 = arith.addi %add3A, %add3A_21 : i32
    %mul3A_23 = arith.constant 256 : i32
    %mul3A_24 = arith.muli %add3A_22, %mul3A_23 : i32
    %mul3A_25 = arith.constant 32 : i32
    %mul3A_26 = arith.muli %mul3A_24, %mul3A_25 : i32
    %dma_wait3A = tpu.memref_slice %arg4[%mul3A_26] : memref<32000000xf32, #tpu.memory_space<hbm>> -> memref<8192xf32, #tpu.memory_space<hbm>>
    %dma_wait3A_27 = tpu.memref_slice %arg4[%mul3A_26] : memref<32000000xf32, #tpu.memory_space<hbm>> -> memref<8192xf32, #tpu.memory_space<hbm>>
    tpu.wait_dma2 semaphore(%arg11 : memref<!tpu.dma_semaphore, #tpu.memory_space<semaphore_mem>>) src(%arg7 : memref<8192xf32, #tpu.memory_space<vmem>>) dst(%dma_wait3A_27 : memref<8192xf32, #tpu.memory_space<hbm>>)
    %add3A_28 = arith.constant 3872 : i32
    %add3A_29 = arith.addi %add3A, %add3A_28 : i32
    %mul3A_30 = arith.constant 256 : i32
    %mul3A_31 = arith.muli %add3A_29, %mul3A_30 : i32
    %mul3A_32 = arith.constant 32 : i32
    %mul3A_33 = arith.muli %mul3A_31, %mul3A_32 : i32
    %dma_wait3A_34 = tpu.memref_slice %arg4[%mul3A_33] : memref<32000000xf32, #tpu.memory_space<hbm>> -> memref<8192xf32, #tpu.memory_space<hbm>>
    %dma_wait3A_35 = tpu.memref_slice %arg4[%mul3A_33] : memref<32000000xf32, #tpu.memory_space<hbm>> -> memref<8192xf32, #tpu.memory_space<hbm>>
    tpu.wait_dma2 semaphore(%arg12 : memref<!tpu.dma_semaphore, #tpu.memory_space<semaphore_mem>>) src(%arg8 : memref<8192xf32, #tpu.memory_space<vmem>>) dst(%dma_wait3A_35 : memref<8192xf32, #tpu.memory_space<hbm>>)
    %lt3A = arith.constant 2 : i32
    %lt3A_36 = arith.cmpi slt, %add3A, %lt3A : i32
    %convert_element_type3A = arith.extui %lt3A_36 : i1 to i32
    %cond3A = arith.constant 0 : i32
    %cond3A_37 = arith.cmpi ne, %convert_element_type3A, %cond3A : i32
    scf.if %cond3A_37 {
      %add3A_42 = arith.constant 3904 : i32
      %add3A_43 = arith.addi %add3A_42, %add3A : i32
      %mul3A_44 = arith.constant 256 : i32
      %mul3A_45 = arith.muli %add3A_43, %mul3A_44 : i32
      "tpu.region"() ({
        %run_scoped3A = tpu.sem_alloc : memref<!tpu.dma_semaphore, #tpu.memory_space<semaphore_mem>>
        %dma_start3A_152 = arith.constant 0 : i32
        %dma_start3A_153 = tpu.memref_slice %arg2[%dma_start3A_152, %mul3A_45] : memref<32x1000000xf32, #tpu.memory_space<hbm>> -> memref<32x256xf32, #tpu.memory_space<hbm>>
        %dma_start3A_154 = arith.constant 0 : i32
        %dma_start3A_155 = tpu.memref_slice %arg2[%dma_start3A_154, %mul3A_45] : memref<32x1000000xf32, #tpu.memory_space<hbm>> -> memref<32x256xf32, #tpu.memory_space<hbm>>
        tpu.enqueue_dma source(%dma_start3A_155 : memref<32x256xf32, #tpu.memory_space<hbm>>) target(%arg5 : memref<32x256xf32, #tpu.memory_space<vmem>>) target_semaphore(%run_scoped3A : memref<!tpu.dma_semaphore, #tpu.memory_space<semaphore_mem>>)
        %dma_wait3A_156 = arith.constant 0 : i32
        %dma_wait3A_157 = tpu.memref_slice %arg2[%dma_wait3A_156, %mul3A_45] : memref<32x1000000xf32, #tpu.memory_space<hbm>> -> memref<32x256xf32, #tpu.memory_space<hbm>>
        %dma_wait3A_158 = arith.constant 0 : i32
        %dma_wait3A_159 = tpu.memref_slice %arg2[%dma_wait3A_158, %mul3A_45] : memref<32x1000000xf32, #tpu.memory_space<hbm>> -> memref<32x256xf32, #tpu.memory_space<hbm>>
        tpu.wait_dma2 semaphore(%run_scoped3A : memref<!tpu.dma_semaphore, #tpu.memory_space<semaphore_mem>>) src(%dma_wait3A_159 : memref<32x256xf32, #tpu.memory_space<hbm>>) dst(%arg5 : memref<32x256xf32, #tpu.memory_space<vmem>>)
        tpu.yield
      }) : () -> ()
      %iota3A = tpu.iota {dimensions = array<i32: 0>} : vector<16xi32>
      %add3A_46 = arith.constant 0 : i32
      %add3A_47 = vector.broadcast %add3A_46 : i32 to vector<16xi32>
      %add3A_48 = arith.addi %iota3A, %add3A_47 : vector<16xi32>
      %add3A_49 = arith.constant 16 : i32
      %add3A_50 = vector.broadcast %add3A_49 : i32 to vector<16xi32>
      %add3A_51 = arith.addi %iota3A, %add3A_50 : vector<16xi32>
      %add3A_52 = arith.constant 32 : i32
      %add3A_53 = vector.broadcast %add3A_52 : i32 to vector<16xi32>
      %add3A_54 = arith.addi %iota3A, %add3A_53 : vector<16xi32>
      %add3A_55 = arith.constant 48 : i32
      %add3A_56 = vector.broadcast %add3A_55 : i32 to vector<16xi32>
      %add3A_57 = arith.addi %iota3A, %add3A_56 : vector<16xi32>
      %add3A_58 = arith.constant 64 : i32
      %add3A_59 = vector.broadcast %add3A_58 : i32 to vector<16xi32>
      %add3A_60 = arith.addi %iota3A, %add3A_59 : vector<16xi32>
      %add3A_61 = arith.constant 80 : i32
      %add3A_62 = vector.broadcast %add3A_61 : i32 to vector<16xi32>
      %add3A_63 = arith.addi %iota3A, %add3A_62 : vector<16xi32>
      %add3A_64 = arith.constant 96 : i32
      %add3A_65 = vector.broadcast %add3A_64 : i32 to vector<16xi32>
      %add3A_66 = arith.addi %iota3A, %add3A_65 : vector<16xi32>
      %add3A_67 = arith.constant 112 : i32
      %add3A_68 = vector.broadcast %add3A_67 : i32 to vector<16xi32>
      %add3A_69 = arith.addi %iota3A, %add3A_68 : vector<16xi32>
      %add3A_70 = arith.constant 128 : i32
      %add3A_71 = vector.broadcast %add3A_70 : i32 to vector<16xi32>
      %add3A_72 = arith.addi %iota3A, %add3A_71 : vector<16xi32>
      %add3A_73 = arith.constant 144 : i32
      %add3A_74 = vector.broadcast %add3A_73 : i32 to vector<16xi32>
      %add3A_75 = arith.addi %iota3A, %add3A_74 : vector<16xi32>
      %add3A_76 = arith.constant 160 : i32
      %add3A_77 = vector.broadcast %add3A_76 : i32 to vector<16xi32>
      %add3A_78 = arith.addi %iota3A, %add3A_77 : vector<16xi32>
      %add3A_79 = arith.constant 176 : i32
      %add3A_80 = vector.broadcast %add3A_79 : i32 to vector<16xi32>
      %add3A_81 = arith.addi %iota3A, %add3A_80 : vector<16xi32>
      %add3A_82 = arith.constant 192 : i32
      %add3A_83 = vector.broadcast %add3A_82 : i32 to vector<16xi32>
      %add3A_84 = arith.addi %iota3A, %add3A_83 : vector<16xi32>
      %add3A_85 = arith.constant 208 : i32
      %add3A_86 = vector.broadcast %add3A_85 : i32 to vector<16xi32>
      %add3A_87 = arith.addi %iota3A, %add3A_86 : vector<16xi32>
      %add3A_88 = arith.constant 224 : i32
      %add3A_89 = vector.broadcast %add3A_88 : i32 to vector<16xi32>
      %add3A_90 = arith.addi %iota3A, %add3A_89 : vector<16xi32>
      %add3A_91 = arith.constant 240 : i32
      %add3A_92 = vector.broadcast %add3A_91 : i32 to vector<16xi32>
      %add3A_93 = arith.addi %iota3A, %add3A_92 : vector<16xi32>
      %mul3A_94 = arith.constant 32 : i32
      %mul3A_95 = vector.broadcast %mul3A_94 : i32 to vector<16xi32>
      %mul3A_96 = arith.muli %add3A_48, %mul3A_95 : vector<16xi32>
      %mul3A_97 = arith.constant 32 : i32
      %mul3A_98 = vector.broadcast %mul3A_97 : i32 to vector<16xi32>
      %mul3A_99 = arith.muli %add3A_51, %mul3A_98 : vector<16xi32>
      %mul3A_100 = arith.constant 32 : i32
      %mul3A_101 = vector.broadcast %mul3A_100 : i32 to vector<16xi32>
      %mul3A_102 = arith.muli %add3A_54, %mul3A_101 : vector<16xi32>
      %mul3A_103 = arith.constant 32 : i32
      %mul3A_104 = vector.broadcast %mul3A_103 : i32 to vector<16xi32>
      %mul3A_105 = arith.muli %add3A_57, %mul3A_104 : vector<16xi32>
      %mul3A_106 = arith.constant 32 : i32
      %mul3A_107 = vector.broadcast %mul3A_106 : i32 to vector<16xi32>
      %mul3A_108 = arith.muli %add3A_60, %mul3A_107 : vector<16xi32>
      %mul3A_109 = arith.constant 32 : i32
      %mul3A_110 = vector.broadcast %mul3A_109 : i32 to vector<16xi32>
      %mul3A_111 = arith.muli %add3A_63, %mul3A_110 : vector<16xi32>
      %mul3A_112 = arith.constant 32 : i32
      %mul3A_113 = vector.broadcast %mul3A_112 : i32 to vector<16xi32>
      %mul3A_114 = arith.muli %add3A_66, %mul3A_113 : vector<16xi32>
      %mul3A_115 = arith.constant 32 : i32
      %mul3A_116 = vector.broadcast %mul3A_115 : i32 to vector<16xi32>
      %mul3A_117 = arith.muli %add3A_69, %mul3A_116 : vector<16xi32>
      %mul3A_118 = arith.constant 32 : i32
      %mul3A_119 = vector.broadcast %mul3A_118 : i32 to vector<16xi32>
      %mul3A_120 = arith.muli %add3A_72, %mul3A_119 : vector<16xi32>
      %mul3A_121 = arith.constant 32 : i32
      %mul3A_122 = vector.broadcast %mul3A_121 : i32 to vector<16xi32>
      %mul3A_123 = arith.muli %add3A_75, %mul3A_122 : vector<16xi32>
      %mul3A_124 = arith.constant 32 : i32
      %mul3A_125 = vector.broadcast %mul3A_124 : i32 to vector<16xi32>
      %mul3A_126 = arith.muli %add3A_78, %mul3A_125 : vector<16xi32>
      %mul3A_127 = arith.constant 32 : i32
      %mul3A_128 = vector.broadcast %mul3A_127 : i32 to vector<16xi32>
      %mul3A_129 = arith.muli %add3A_81, %mul3A_128 : vector<16xi32>
      %mul3A_130 = arith.constant 32 : i32
      %mul3A_131 = vector.broadcast %mul3A_130 : i32 to vector<16xi32>
      %mul3A_132 = arith.muli %add3A_84, %mul3A_131 : vector<16xi32>
      %mul3A_133 = arith.constant 32 : i32
      %mul3A_134 = vector.broadcast %mul3A_133 : i32 to vector<16xi32>
      %mul3A_135 = arith.muli %add3A_87, %mul3A_134 : vector<16xi32>
      %mul3A_136 = arith.constant 32 : i32
      %mul3A_137 = vector.broadcast %mul3A_136 : i32 to vector<16xi32>
      %mul3A_138 = arith.muli %add3A_90, %mul3A_137 : vector<16xi32>
      %mul3A_139 = arith.constant 32 : i32
      %mul3A_140 = vector.broadcast %mul3A_139 : i32 to vector<16xi32>
      %mul3A_141 = arith.muli %add3A_93, %mul3A_140 : vector<16xi32>
      %scan3A_142 = arith.constant 0 : i32
      %scan3A_143 = arith.constant 0 : i32
      %scan3A_144 = arith.constant 16 : i32
      %scan3A_145 = arith.addi %scan3A_143, %scan3A_144 : i32
      %scan3A_146 = arith.constant 1 : i32
      scf.for %scan3A_152 = %scan3A_143 to %scan3A_145 step %scan3A_146  : i32 {
        %add3A_153 = vector.broadcast %scan3A_152 : i32 to vector<16xi32>
        %add3A_154 = arith.addi %iota3A, %add3A_153 : vector<16xi32>
        %and3A = arith.constant 15 : i32
        %and3A_155 = vector.broadcast %and3A : i32 to vector<16xi32>
        %and3A_156 = arith.andi %add3A_154, %and3A_155 : vector<16xi32>
        %add3A_157 = arith.constant 0 : i32
        %add3A_158 = vector.broadcast %add3A_157 : i32 to vector<16xi32>
        %add3A_159 = arith.addi %and3A_156, %add3A_158 : vector<16xi32>
        %gather3A = tpu.vector_load_idx %arg5[%add3A_159, %add3A_48] : memref<32x256xf32, #tpu.memory_space<vmem>>[vector<16xi32>, vector<16xi32>], vector<16xf32>,
        %add3A_160 = arith.addi %mul3A_96, %add3A_159 : vector<16xi32>
        %gather3A_161 = tpu.vector_load_idx %arg5[%add3A_159, %add3A_51] : memref<32x256xf32, #tpu.memory_space<vmem>>[vector<16xi32>, vector<16xi32>], vector<16xf32>,
        %add3A_162 = arith.addi %mul3A_99, %add3A_159 : vector<16xi32>
        %gather3A_163 = tpu.vector_load_idx %arg5[%add3A_159, %add3A_54] : memref<32x256xf32, #tpu.memory_space<vmem>>[vector<16xi32>, vector<16xi32>], vector<16xf32>,
        %add3A_164 = arith.addi %mul3A_102, %add3A_159 : vector<16xi32>
        %gather3A_165 = tpu.vector_load_idx %arg5[%add3A_159, %add3A_57] : memref<32x256xf32, #tpu.memory_space<vmem>>[vector<16xi32>, vector<16xi32>], vector<16xf32>,
        %add3A_166 = arith.addi %mul3A_105, %add3A_159 : vector<16xi32>
        %gather3A_167 = tpu.vector_load_idx %arg5[%add3A_159, %add3A_60] : memref<32x256xf32, #tpu.memory_space<vmem>>[vector<16xi32>, vector<16xi32>], vector<16xf32>,
        %add3A_168 = arith.addi %mul3A_108, %add3A_159 : vector<16xi32>
        %gather3A_169 = tpu.vector_load_idx %arg5[%add3A_159, %add3A_63] : memref<32x256xf32, #tpu.memory_space<vmem>>[vector<16xi32>, vector<16xi32>], vector<16xf32>,
        %add3A_170 = arith.addi %mul3A_111, %add3A_159 : vector<16xi32>
        %gather3A_171 = tpu.vector_load_idx %arg5[%add3A_159, %add3A_66] : memref<32x256xf32, #tpu.memory_space<vmem>>[vector<16xi32>, vector<16xi32>], vector<16xf32>,
        %add3A_172 = arith.addi %mul3A_114, %add3A_159 : vector<16xi32>
        %gather3A_173 = tpu.vector_load_idx %arg5[%add3A_159, %add3A_69] : memref<32x256xf32, #tpu.memory_space<vmem>>[vector<16xi32>, vector<16xi32>], vector<16xf32>,
        %add3A_174 = arith.addi %mul3A_117, %add3A_159 : vector<16xi32>
        %gather3A_175 = tpu.vector_load_idx %arg5[%add3A_159, %add3A_72] : memref<32x256xf32, #tpu.memory_space<vmem>>[vector<16xi32>, vector<16xi32>], vector<16xf32>,
        %add3A_176 = arith.addi %mul3A_120, %add3A_159 : vector<16xi32>
        %gather3A_177 = tpu.vector_load_idx %arg5[%add3A_159, %add3A_75] : memref<32x256xf32, #tpu.memory_space<vmem>>[vector<16xi32>, vector<16xi32>], vector<16xf32>,
        %add3A_178 = arith.addi %mul3A_123, %add3A_159 : vector<16xi32>
        %gather3A_179 = tpu.vector_load_idx %arg5[%add3A_159, %add3A_78] : memref<32x256xf32, #tpu.memory_space<vmem>>[vector<16xi32>, vector<16xi32>], vector<16xf32>,
        %add3A_180 = arith.addi %mul3A_126, %add3A_159 : vector<16xi32>
        %gather3A_181 = tpu.vector_load_idx %arg5[%add3A_159, %add3A_81] : memref<32x256xf32, #tpu.memory_space<vmem>>[vector<16xi32>, vector<16xi32>], vector<16xf32>,
        %add3A_182 = arith.addi %mul3A_129, %add3A_159 : vector<16xi32>
        %gather3A_183 = tpu.vector_load_idx %arg5[%add3A_159, %add3A_84] : memref<32x256xf32, #tpu.memory_space<vmem>>[vector<16xi32>, vector<16xi32>], vector<16xf32>,
        %add3A_184 = arith.addi %mul3A_132, %add3A_159 : vector<16xi32>
        %gather3A_185 = tpu.vector_load_idx %arg5[%add3A_159, %add3A_87] : memref<32x256xf32, #tpu.memory_space<vmem>>[vector<16xi32>, vector<16xi32>], vector<16xf32>,
        %add3A_186 = arith.addi %mul3A_135, %add3A_159 : vector<16xi32>
        %gather3A_187 = tpu.vector_load_idx %arg5[%add3A_159, %add3A_90] : memref<32x256xf32, #tpu.memory_space<vmem>>[vector<16xi32>, vector<16xi32>], vector<16xf32>,
        %add3A_188 = arith.addi %mul3A_138, %add3A_159 : vector<16xi32>
        %gather3A_189 = tpu.vector_load_idx %arg5[%add3A_159, %add3A_93] : memref<32x256xf32, #tpu.memory_space<vmem>>[vector<16xi32>, vector<16xi32>], vector<16xf32>,
        %add3A_190 = arith.addi %mul3A_141, %add3A_159 : vector<16xi32>
        %add3A_191 = arith.constant 16 : i32
        %add3A_192 = vector.broadcast %add3A_191 : i32 to vector<16xi32>
        %add3A_193 = arith.addi %and3A_156, %add3A_192 : vector<16xi32>
        %gather3A_194 = tpu.vector_load_idx %arg5[%add3A_193, %add3A_48] : memref<32x256xf32, #tpu.memory_space<vmem>>[vector<16xi32>, vector<16xi32>], vector<16xf32>,
        %add3A_195 = arith.addi %mul3A_96, %add3A_193 : vector<16xi32>
        %gather3A_196 = tpu.vector_load_idx %arg5[%add3A_193, %add3A_51] : memref<32x256xf32, #tpu.memory_space<vmem>>[vector<16xi32>, vector<16xi32>], vector<16xf32>,
        %add3A_197 = arith.addi %mul3A_99, %add3A_193 : vector<16xi32>
        %gather3A_198 = tpu.vector_load_idx %arg5[%add3A_193, %add3A_54] : memref<32x256xf32, #tpu.memory_space<vmem>>[vector<16xi32>, vector<16xi32>], vector<16xf32>,
        %add3A_199 = arith.addi %mul3A_102, %add3A_193 : vector<16xi32>
        %gather3A_200 = tpu.vector_load_idx %arg5[%add3A_193, %add3A_57] : memref<32x256xf32, #tpu.memory_space<vmem>>[vector<16xi32>, vector<16xi32>], vector<16xf32>,
        %add3A_201 = arith.addi %mul3A_105, %add3A_193 : vector<16xi32>
        %gather3A_202 = tpu.vector_load_idx %arg5[%add3A_193, %add3A_60] : memref<32x256xf32, #tpu.memory_space<vmem>>[vector<16xi32>, vector<16xi32>], vector<16xf32>,
        %add3A_203 = arith.addi %mul3A_108, %add3A_193 : vector<16xi32>
        %gather3A_204 = tpu.vector_load_idx %arg5[%add3A_193, %add3A_63] : memref<32x256xf32, #tpu.memory_space<vmem>>[vector<16xi32>, vector<16xi32>], vector<16xf32>,
        %add3A_205 = arith.addi %mul3A_111, %add3A_193 : vector<16xi32>
        %gather3A_206 = tpu.vector_load_idx %arg5[%add3A_193, %add3A_66] : memref<32x256xf32, #tpu.memory_space<vmem>>[vector<16xi32>, vector<16xi32>], vector<16xf32>,
        %add3A_207 = arith.addi %mul3A_114, %add3A_193 : vector<16xi32>
        %gather3A_208 = tpu.vector_load_idx %arg5[%add3A_193, %add3A_69] : memref<32x256xf32, #tpu.memory_space<vmem>>[vector<16xi32>, vector<16xi32>], vector<16xf32>,
        %add3A_209 = arith.addi %mul3A_117, %add3A_193 : vector<16xi32>
        %gather3A_210 = tpu.vector_load_idx %arg5[%add3A_193, %add3A_72] : memref<32x256xf32, #tpu.memory_space<vmem>>[vector<16xi32>, vector<16xi32>], vector<16xf32>,
        %add3A_211 = arith.addi %mul3A_120, %add3A_193 : vector<16xi32>
        %gather3A_212 = tpu.vector_load_idx %arg5[%add3A_193, %add3A_75] : memref<32x256xf32, #tpu.memory_space<vmem>>[vector<16xi32>, vector<16xi32>], vector<16xf32>,
        %add3A_213 = arith.addi %mul3A_123, %add3A_193 : vector<16xi32>
        %gather3A_214 = tpu.vector_load_idx %arg5[%add3A_193, %add3A_78] : memref<32x256xf32, #tpu.memory_space<vmem>>[vector<16xi32>, vector<16xi32>], vector<16xf32>,
        %add3A_215 = arith.addi %mul3A_126, %add3A_193 : vector<16xi32>
        %gather3A_216 = tpu.vector_load_idx %arg5[%add3A_193, %add3A_81] : memref<32x256xf32, #tpu.memory_space<vmem>>[vector<16xi32>, vector<16xi32>], vector<16xf32>,
        %add3A_217 = arith.addi %mul3A_129, %add3A_193 : vector<16xi32>
        %gather3A_218 = tpu.vector_load_idx %arg5[%add3A_193, %add3A_84] : memref<32x256xf32, #tpu.memory_space<vmem>>[vector<16xi32>, vector<16xi32>], vector<16xf32>,
        %add3A_219 = arith.addi %mul3A_132, %add3A_193 : vector<16xi32>
        %gather3A_220 = tpu.vector_load_idx %arg5[%add3A_193, %add3A_87] : memref<32x256xf32, #tpu.memory_space<vmem>>[vector<16xi32>, vector<16xi32>], vector<16xf32>,
        %add3A_221 = arith.addi %mul3A_135, %add3A_193 : vector<16xi32>
        %gather3A_222 = tpu.vector_load_idx %arg5[%add3A_193, %add3A_90] : memref<32x256xf32, #tpu.memory_space<vmem>>[vector<16xi32>, vector<16xi32>], vector<16xf32>,
        %add3A_223 = arith.addi %mul3A_138, %add3A_193 : vector<16xi32>
        %gather3A_224 = tpu.vector_load_idx %arg5[%add3A_193, %add3A_93] : memref<32x256xf32, #tpu.memory_space<vmem>>[vector<16xi32>, vector<16xi32>], vector<16xf32>,
        %add3A_225 = arith.addi %mul3A_141, %add3A_193 : vector<16xi32>
        tpu.vector_store_idx %arg7[%add3A_160], %gather3A : memref<8192xf32, #tpu.memory_space<vmem>>[vector<16xi32>], vector<16xf32>,
        tpu.vector_store_idx %arg7[%add3A_162], %gather3A_161 : memref<8192xf32, #tpu.memory_space<vmem>>[vector<16xi32>], vector<16xf32>,
        tpu.vector_store_idx %arg7[%add3A_164], %gather3A_163 : memref<8192xf32, #tpu.memory_space<vmem>>[vector<16xi32>], vector<16xf32>,
        tpu.vector_store_idx %arg7[%add3A_166], %gather3A_165 : memref<8192xf32, #tpu.memory_space<vmem>>[vector<16xi32>], vector<16xf32>,
        tpu.vector_store_idx %arg7[%add3A_168], %gather3A_167 : memref<8192xf32, #tpu.memory_space<vmem>>[vector<16xi32>], vector<16xf32>,
        tpu.vector_store_idx %arg7[%add3A_170], %gather3A_169 : memref<8192xf32, #tpu.memory_space<vmem>>[vector<16xi32>], vector<16xf32>,
        tpu.vector_store_idx %arg7[%add3A_172], %gather3A_171 : memref<8192xf32, #tpu.memory_space<vmem>>[vector<16xi32>], vector<16xf32>,
        tpu.vector_store_idx %arg7[%add3A_174], %gather3A_173 : memref<8192xf32, #tpu.memory_space<vmem>>[vector<16xi32>], vector<16xf32>,
        tpu.vector_store_idx %arg7[%add3A_176], %gather3A_175 : memref<8192xf32, #tpu.memory_space<vmem>>[vector<16xi32>], vector<16xf32>,
        tpu.vector_store_idx %arg7[%add3A_178], %gather3A_177 : memref<8192xf32, #tpu.memory_space<vmem>>[vector<16xi32>], vector<16xf32>,
        tpu.vector_store_idx %arg7[%add3A_180], %gather3A_179 : memref<8192xf32, #tpu.memory_space<vmem>>[vector<16xi32>], vector<16xf32>,
        tpu.vector_store_idx %arg7[%add3A_182], %gather3A_181 : memref<8192xf32, #tpu.memory_space<vmem>>[vector<16xi32>], vector<16xf32>,
        tpu.vector_store_idx %arg7[%add3A_184], %gather3A_183 : memref<8192xf32, #tpu.memory_space<vmem>>[vector<16xi32>], vector<16xf32>,
        tpu.vector_store_idx %arg7[%add3A_186], %gather3A_185 : memref<8192xf32, #tpu.memory_space<vmem>>[vector<16xi32>], vector<16xf32>,
        tpu.vector_store_idx %arg7[%add3A_188], %gather3A_187 : memref<8192xf32, #tpu.memory_space<vmem>>[vector<16xi32>], vector<16xf32>,
        tpu.vector_store_idx %arg7[%add3A_190], %gather3A_189 : memref<8192xf32, #tpu.memory_space<vmem>>[vector<16xi32>], vector<16xf32>,
        tpu.vector_store_idx %arg7[%add3A_195], %gather3A_194 : memref<8192xf32, #tpu.memory_space<vmem>>[vector<16xi32>], vector<16xf32>,
        tpu.vector_store_idx %arg7[%add3A_197], %gather3A_196 : memref<8192xf32, #tpu.memory_space<vmem>>[vector<16xi32>], vector<16xf32>,
        tpu.vector_store_idx %arg7[%add3A_199], %gather3A_198 : memref<8192xf32, #tpu.memory_space<vmem>>[vector<16xi32>], vector<16xf32>,
        tpu.vector_store_idx %arg7[%add3A_201], %gather3A_200 : memref<8192xf32, #tpu.memory_space<vmem>>[vector<16xi32>], vector<16xf32>,
        tpu.vector_store_idx %arg7[%add3A_203], %gather3A_202 : memref<8192xf32, #tpu.memory_space<vmem>>[vector<16xi32>], vector<16xf32>,
        tpu.vector_store_idx %arg7[%add3A_205], %gather3A_204 : memref<8192xf32, #tpu.memory_space<vmem>>[vector<16xi32>], vector<16xf32>,
        tpu.vector_store_idx %arg7[%add3A_207], %gather3A_206 : memref<8192xf32, #tpu.memory_space<vmem>>[vector<16xi32>], vector<16xf32>,
        tpu.vector_store_idx %arg7[%add3A_209], %gather3A_208 : memref<8192xf32, #tpu.memory_space<vmem>>[vector<16xi32>], vector<16xf32>,
        tpu.vector_store_idx %arg7[%add3A_211], %gather3A_210 : memref<8192xf32, #tpu.memory_space<vmem>>[vector<16xi32>], vector<16xf32>,
        tpu.vector_store_idx %arg7[%add3A_213], %gather3A_212 : memref<8192xf32, #tpu.memory_space<vmem>>[vector<16xi32>], vector<16xf32>,
        tpu.vector_store_idx %arg7[%add3A_215], %gather3A_214 : memref<8192xf32, #tpu.memory_space<vmem>>[vector<16xi32>], vector<16xf32>,
        tpu.vector_store_idx %arg7[%add3A_217], %gather3A_216 : memref<8192xf32, #tpu.memory_space<vmem>>[vector<16xi32>], vector<16xf32>,
        tpu.vector_store_idx %arg7[%add3A_219], %gather3A_218 : memref<8192xf32, #tpu.memory_space<vmem>>[vector<16xi32>], vector<16xf32>,
        tpu.vector_store_idx %arg7[%add3A_221], %gather3A_220 : memref<8192xf32, #tpu.memory_space<vmem>>[vector<16xi32>], vector<16xf32>,
        tpu.vector_store_idx %arg7[%add3A_223], %gather3A_222 : memref<8192xf32, #tpu.memory_space<vmem>>[vector<16xi32>], vector<16xf32>,
        tpu.vector_store_idx %arg7[%add3A_225], %gather3A_224 : memref<8192xf32, #tpu.memory_space<vmem>>[vector<16xi32>], vector<16xf32>,
      }
      %scan3A_147 = arith.constant 16 : i32
      %mul3A_148 = arith.constant 256 : i32
      %mul3A_149 = arith.muli %add3A_43, %mul3A_148 : i32
      %mul3A_150 = arith.constant 32 : i32
      %mul3A_151 = arith.muli %mul3A_149, %mul3A_150 : i32
      "tpu.region"() ({
        %run_scoped3A = tpu.sem_alloc : memref<!tpu.dma_semaphore, #tpu.memory_space<semaphore_mem>>
        %dma_start3A_152 = tpu.memref_slice %arg4[%mul3A_151] : memref<32000000xf32, #tpu.memory_space<hbm>> -> memref<8192xf32, #tpu.memory_space<hbm>>
        %dma_start3A_153 = tpu.memref_slice %arg4[%mul3A_151] : memref<32000000xf32, #tpu.memory_space<hbm>> -> memref<8192xf32, #tpu.memory_space<hbm>>
        tpu.enqueue_dma source(%arg7 : memref<8192xf32, #tpu.memory_space<vmem>>) target(%dma_start3A_153 : memref<8192xf32, #tpu.memory_space<hbm>>) target_semaphore(%run_scoped3A : memref<!tpu.dma_semaphore, #tpu.memory_space<semaphore_mem>>)
        %dma_wait3A_154 = tpu.memref_slice %arg4[%mul3A_151] : memref<32000000xf32, #tpu.memory_space<hbm>> -> memref<8192xf32, #tpu.memory_space<hbm>>
        %dma_wait3A_155 = tpu.memref_slice %arg4[%mul3A_151] : memref<32000000xf32, #tpu.memory_space<hbm>> -> memref<8192xf32, #tpu.memory_space<hbm>>
        tpu.wait_dma2 semaphore(%run_scoped3A : memref<!tpu.dma_semaphore, #tpu.memory_space<semaphore_mem>>) src(%arg7 : memref<8192xf32, #tpu.memory_space<vmem>>) dst(%dma_wait3A_155 : memref<8192xf32, #tpu.memory_space<hbm>>)
        tpu.yield
      }) : () -> ()
    } else {
    }
    %eq3A = arith.constant 2 : i32
    %eq3A_38 = arith.cmpi eq, %add3A, %eq3A : i32
    %convert_element_type3A_39 = arith.extui %eq3A_38 : i1 to i32
    %cond3A_40 = arith.constant 0 : i32
    %cond3A_41 = arith.cmpi ne, %convert_element_type3A_39, %cond3A_40 : i32
    scf.if %cond3A_41 {
      "tpu.region"() ({
        %run_scoped3A = tpu.sem_alloc : memref<!tpu.dma_semaphore, #tpu.memory_space<semaphore_mem>>
        %dma_start3A_42 = arith.constant 0 : i32
        %dma_start3A_43 = tpu.memref_slice %arg7[%dma_start3A_42] : memref<8192xf32, #tpu.memory_space<vmem>> -> memref<2048xf32, #tpu.memory_space<vmem>>
        %dma_start3A_44 = arith.constant 0 : i32
        %dma_start3A_45 = tpu.memref_slice %arg7[%dma_start3A_44] : memref<8192xf32, #tpu.memory_space<vmem>> -> memref<2048xf32, #tpu.memory_space<vmem>>
        tpu.enqueue_dma source(%arg3 : memref<2048xf32, #tpu.memory_space<hbm>>) target(%dma_start3A_45 : memref<2048xf32, #tpu.memory_space<vmem>>) target_semaphore(%run_scoped3A : memref<!tpu.dma_semaphore, #tpu.memory_space<semaphore_mem>>)
        %dma_wait3A_46 = arith.constant 0 : i32
        %dma_wait3A_47 = tpu.memref_slice %arg7[%dma_wait3A_46] : memref<8192xf32, #tpu.memory_space<vmem>> -> memref<2048xf32, #tpu.memory_space<vmem>>
        %dma_wait3A_48 = arith.constant 0 : i32
        %dma_wait3A_49 = tpu.memref_slice %arg7[%dma_wait3A_48] : memref<8192xf32, #tpu.memory_space<vmem>> -> memref<2048xf32, #tpu.memory_space<vmem>>
        tpu.wait_dma2 semaphore(%run_scoped3A : memref<!tpu.dma_semaphore, #tpu.memory_space<semaphore_mem>>) src(%arg3 : memref<2048xf32, #tpu.memory_space<hbm>>) dst(%dma_wait3A_49 : memref<2048xf32, #tpu.memory_space<vmem>>)
        tpu.yield
      }) : () -> ()
      "tpu.region"() ({
        %run_scoped3A = tpu.sem_alloc : memref<!tpu.dma_semaphore, #tpu.memory_space<semaphore_mem>>
        %dma_start3A_42 = arith.constant 0 : i32
        %dma_start3A_43 = tpu.memref_slice %arg7[%dma_start3A_42] : memref<8192xf32, #tpu.memory_space<vmem>> -> memref<2048xf32, #tpu.memory_space<vmem>>
        %dma_start3A_44 = arith.constant 31997952 : i32
        %dma_start3A_45 = tpu.memref_slice %arg4[%dma_start3A_44] : memref<32000000xf32, #tpu.memory_space<hbm>> -> memref<2048xf32, #tpu.memory_space<hbm>>
        %dma_start3A_46 = arith.constant 31997952 : i32
        %dma_start3A_47 = tpu.memref_slice %arg4[%dma_start3A_46] : memref<32000000xf32, #tpu.memory_space<hbm>> -> memref<2048xf32, #tpu.memory_space<hbm>>
        %dma_start3A_48 = arith.constant 0 : i32
        %dma_start3A_49 = tpu.memref_slice %arg7[%dma_start3A_48] : memref<8192xf32, #tpu.memory_space<vmem>> -> memref<2048xf32, #tpu.memory_space<vmem>>
        tpu.enqueue_dma source(%dma_start3A_49 : memref<2048xf32, #tpu.memory_space<vmem>>) target(%dma_start3A_47 : memref<2048xf32, #tpu.memory_space<hbm>>) target_semaphore(%run_scoped3A : memref<!tpu.dma_semaphore, #tpu.memory_space<semaphore_mem>>)
        %dma_wait3A_50 = arith.constant 0 : i32
        %dma_wait3A_51 = tpu.memref_slice %arg7[%dma_wait3A_50] : memref<8192xf32, #tpu.memory_space<vmem>> -> memref<2048xf32, #tpu.memory_space<vmem>>
        %dma_wait3A_52 = arith.constant 31997952 : i32
        %dma_wait3A_53 = tpu.memref_slice %arg4[%dma_wait3A_52] : memref<32000000xf32, #tpu.memory_space<hbm>> -> memref<2048xf32, #tpu.memory_space<hbm>>
        %dma_wait3A_54 = arith.constant 31997952 : i32
        %dma_wait3A_55 = tpu.memref_slice %arg4[%dma_wait3A_54] : memref<32000000xf32, #tpu.memory_space<hbm>> -> memref<2048xf32, #tpu.memory_space<hbm>>
        %dma_wait3A_56 = arith.constant 0 : i32
        %dma_wait3A_57 = tpu.memref_slice %arg7[%dma_wait3A_56] : memref<8192xf32, #tpu.memory_space<vmem>> -> memref<2048xf32, #tpu.memory_space<vmem>>
        tpu.wait_dma2 semaphore(%run_scoped3A : memref<!tpu.dma_semaphore, #tpu.memory_space<semaphore_mem>>) src(%dma_wait3A_57 : memref<2048xf32, #tpu.memory_space<vmem>>) dst(%dma_wait3A_55 : memref<2048xf32, #tpu.memory_space<hbm>>)
        tpu.yield
      }) : () -> ()
    } else {
    }
    return
  }
}

</mosaic_0001>

<sc_bundles>
// kernel: _untile.3.cloned.1.call-start
scs
__scs_entry_jumppad:
0x0: {  	(pc) =	sbr.rel $0x88, $3  }
0x1: {  	(tag) =	ssettag $0x0;
	lr =	simm.s32 $0x1  }
0x2: {  	[smem:$0x3F9F] =	sst lr;
	_ =	strace $0xD0000000  }
0x3: {  	_ = 	snop  }
0x4: {  	_ = 	snop  }
0x5: {  	_ = 	snop  }
0x6: {  	_ = 	snop  }
0x7: {  	_ = 	snop  }
__scs_overlays_trampoline_lowered:
0x8: {  	[smem:$0x3FAE] =	sst s0  }
0x9: {  	[smem:$0x3FAF] =	sst s1  }
0xa: {  	[smem:$0x3FB0] =	sst s2  }
0xb: {  	[smem:$0x3FB1] =	sst s3  }
0xc: {  	[smem:$0x3FB2] =	sst s4  }
0xd: {  	[smem:$0x3FB3] =	sst s5  }
0xe: {  	[smem:$0x3FB4] =	sst s6  }
0xf: {  	[smem:$0x3FB5] =	sst s7  }
0x10: {  	[smem:$0x3FB6] =	sst s8  }
0x11: {  	[smem:$0x3FB7] =	sst s9;
	s0 =	simm.s32 @!p0 $0x0  }
0x12: {  	s1 =	sld [smem:$0x3F9D];
	s0 =	simm.s32 @p0 $0x1  }
0x13: {  	[smem:$0x3FB8] =	sst s0;
	s0 =	simm.s32 @!p1 $0x0  }
0x14: {  	s2 =	sld [smem:$0x3F9C];
	s0 =	simm.s32 @p1 $0x1  }
0x15: {  	[smem:$0x3FB9] =	sst s0;
	s0 =	simm.s32 @!p2 $0x0  }
0x16: {  	s3 =	sld [smem:$0x3FDB];
	s0 =	simm.s32 @p2 $0x1  }
0x17: {  	s4 =	simm.s32 $0x1BF5;
	[smem:$0x3FBB] =	sst s0  }
0x18: {  	s0 =	sld [smem:$0x3F9E];
	_ =	swait.ge [sflag:s4], $0x0  }
0x19: {  	s7 =	sld [smem:$0x3F9F]  }
0x1a: {  	s8 =	sadd.s32 $0xFFFFE003, lr  }
0x1b: {  	s9 =	sadd.s32 $0xFFFFFEF7, lr;
	s5 =	simm.s32 $0xFFFFFFFF;
	p2 =	slt.u32 s8, $0xFFFFF086  }
0x1c: {  	p1 =	slt.u32 s9, $0xF7A;
	s5 =	simm.s32 @!p2 $0x0  }
0x1d: {  	s5 =	simm.s32 @p1 $0x1;
	p0 =	seq.s32 s7, s2  }
0x1e: {  	s7 =	smul.u32 @!p0 $0xF7A, s2;
	p2 =	seq.s32 @!p0 s5, $0x0  }
0x1f: {  	s9 =	smul.u32 $0xF7A, s1;
	s8 =	simm.s32 @!p0 $0x1BF5;
	p2 =	por !p2, p0  }
0x20: {  	[sflag:s8] =	ssyncset.s32 @!p0 $0xFFFFF086;
	s6 =	sadd.s32 @!p0 s3, s7;
	s7 =	simm.s32 @!p0 $0x108  }
0x21: {  	s3 =	sadd.s32 s3, s9;
	s6 =	sadd.s32 @!p0 $0x88, s6;
	s7 =	simm.s32 @p2 $0x1082  }
0x22: {  	[simem:s7], [sflag:s8] =	dma.local @!p0 [hbm:s6], $0xF7A  }
0x23: {  	s9 =	sor.u32 $0xD0000000, s2;
	s6 =	simm.s32 $0x108;
	_ =	swait.ge @!p0 [sflag:s8], $0x0  }
0x24: {  	s3 =	sadd.s32 $0x88, s3;
	s6 =	simm.s32 @!p1 $0x1082;
	[sflag:s4] =	ssyncset.s32 $0xFFFFF086  }
0x25: {  	[simem:s6], [sflag:s4] =	dma.local [hbm:s3], $0xF7A  }
0x26: {  	[smem:$0x3F9F] =	sst s1;
	(tag) =	ssettag s2;
	_ =	strace s9  }
0x27: {  	s1 =	sld [smem:$0x3FAF]  }
0x28: {  	s2 =	sld [smem:$0x3FB0]  }
0x29: {  	s4 =	sld [smem:$0x3FB2]  }
0x2a: {  	p0 =	seq.s32 s5, $0x0;
	s5 =	sld [smem:$0x3FB3]  }
0x2b: {  	s6 =	sld [smem:$0x3FB4]  }
0x2c: {  	s7 =	sld [smem:$0x3FB5]  }
0x2d: {  	s3 =	simm.s32 $0x108;
	s8 =	sld [smem:$0x3FB6]  }
0x2e: {  	s3 =	simm.s32 @!p0 $0x1082;
	s9 =	sld [smem:$0x3FB7]  }
0x2f: {  	lr =	sadd.s32 s0, s3;
	s0 =	sld [smem:$0x3FAE]  }
0x30: {  	s3 =	sld [smem:$0x3FB1]  }
0x31: {  	[smem:$0x3FBA] =	sst s10  }
0x32: {  	s10 =	sld [smem:$0x3FB8];
	_ =	sdelay $0x3  }
0x33: {  	p0 =	seq.s32 s10, $0x1;
	s10 =	sld [smem:$0x3FBA];
	_ =	sdelay $0x3  }
0x34: {  	[smem:$0x3FBA] =	sst s10  }
0x35: {  	s10 =	sld [smem:$0x3FB9];
	_ =	sdelay $0x3  }
0x36: {  	p1 =	seq.s32 s10, $0x1;
	s10 =	sld [smem:$0x3FBA];
	_ =	sdelay $0x3  }
0x37: {  	[smem:$0x3FBA] =	sst s10  }
0x38: {  	s10 =	sld [smem:$0x3FBB]  }
0x39: {  	_ = 	snop;
	(pc) =	sbr.ind lr, $3  }
0x3a: {  	_ = 	snop  }
0x3b: {  	_ = 	snop  }
0x3c: {  	p2 =	seq.s32 s10, $0x1;
	s10 =	sld [smem:$0x3FBA]  }
0x3d: {  	_ =	shalt  }
0x3e: {  	_ =	shalt  }
0x3f: {  	_ =	shalt  }
0x40: {  	_ =	shalt  }
0x41: {  	_ =	shalt  }
0x42: {  	_ =	shalt  }
0x43: {  	_ =	shalt  }
0x44: {  	_ =	shalt  }
0x45: {  	_ =	shalt  }
0x46: {  	_ =	shalt  }
0x47: {  	_ =	shalt  }
0x48: {  	_ =	shalt  }
0x49: {  	_ =	shalt  }
0x4a: {  	_ =	shalt  }
0x4b: {  	_ =	shalt  }
0x4c: {  	_ =	shalt  }
0x4d: {  	_ =	shalt  }
0x4e: {  	_ =	shalt  }
0x4f: {  	_ =	shalt  }
0x50: {  	_ =	shalt  }
0x51: {  	_ =	shalt  }
0x52: {  	_ =	shalt  }
0x53: {  	_ =	shalt  }
0x54: {  	_ =	shalt  }
0x55: {  	_ =	shalt  }
0x56: {  	_ =	shalt  }
0x57: {  	_ =	shalt  }
0x58: {  	_ =	shalt  }
0x59: {  	_ =	shalt  }
0x5a: {  	_ =	shalt  }
0x5b: {  	_ =	shalt  }
0x5c: {  	_ =	shalt  }
0x5d: {  	_ =	shalt  }
0x5e: {  	_ =	shalt  }
0x5f: {  	_ =	shalt  }
0x60: {  	_ =	shalt  }
0x61: {  	_ =	shalt  }
0x62: {  	_ =	shalt  }
0x63: {  	_ =	shalt  }
0x64: {  	_ =	shalt  }
0x65: {  	_ =	shalt  }
0x66: {  	_ =	shalt  }
0x67: {  	_ =	shalt  }
0x68: {  	_ =	shalt  }
0x69: {  	_ =	shalt  }
0x6a: {  	_ =	shalt  }
0x6b: {  	_ =	shalt  }
0x6c: {  	_ =	shalt  }
0x6d: {  	_ =	shalt  }
0x6e: {  	_ =	shalt  }
0x6f: {  	_ =	shalt  }
0x70: {  	_ =	shalt  }
0x71: {  	_ =	shalt  }
0x72: {  	_ =	shalt  }
0x73: {  	_ =	shalt  }
0x74: {  	_ =	shalt  }
0x75: {  	_ =	shalt  }
0x76: {  	_ =	shalt  }
0x77: {  	_ =	shalt  }
0x78: {  	_ =	shalt  }
0x79: {  	_ =	shalt  }
0x7a: {  	_ =	shalt  }
0x7b: {  	_ =	shalt  }
0x7c: {  	_ =	shalt  }
0x7d: {  	_ =	shalt  }
0x7e: {  	_ =	shalt  }
0x7f: {  	_ =	shalt  }
0x80: {  	_ =	shalt  }
0x81: {  	_ =	shalt  }
0x82: {  	_ =	shalt  }
0x83: {  	_ =	shalt  }
0x84: {  	_ =	shalt  }
0x85: {  	_ =	shalt  }
0x86: {  	_ =	shalt  }
0x87: {  	_ =	shalt  }
.Lfunc_end0:
.L_simem_size_0:
called_computation_lowered:
.L_overlay_start_0:
0x88: {  	s2 =	sld [smem:$0x3FD9]  }
0x89: {  	s3 =	sld [smem:$0x3FFE];
	_ =	sdelay $0x1  }
0x8a: {  	s1 =	srdreg.scid  }
0x8b: {  	s0 =	sand.u32 $0x1, s1  }
0x8c: {  	s18 =	sshll.u32 s0, $0xA;
	s2 =	sadd.s32 s3, s2  }
0x8d: {  	s2 =	sadd.s32 s2, s18  }
0x8e: {  	[smem:$0x3FC6] =	sst s2  }
0x8f: {  	_ = 	snop  }
0x90: {  	s2 =	sld [smem:$0x3FC9]  }
0x91: {  	s19 =	sld [smem:$0x3FC8]  }
0x92: {  	s4 =	sld [smem:$0x3FD0];
	(tm) =	ssettm $0x1  }
0x93: {  	s5 =	sld [smem:$0x3FFB];
	_ =	sdelay $0x3  }
0x94: {  	_ =	strace s5  }
0x95: {  	s5 =	sld [smem:$0x3FFC];
	_ =	sdelay $0x3  }
0x96: {  	_ =	strace s5  }
0x97: {  	s5 =	sld [smem:$0x3FFD];
	_ =	sdelay $0x3  }
0x98: {  	_ =	strace s5  }
0x99: {  	_ =	strace $0x8FFFFFFF  }
0x9a: {  	s20 =	sld [smem:$0x3FDB];
	_ =	sdelay $0x1  }
0x9b: {  	s6 =	simm.s32 $_scs_section_size  }
0x9c: {  	s7 =	simm.s32 $_size__tile_overlayer_lowered;
	s8 =	simm.s32 $_tile_overlayer_lowered  }
0x9d: {  	s23 =	simm.s32 $0x1BFF;
	s22 =	sshll.u32 s8, $0x1;
	s5 =	sadd.s32 s6, s20  }
0x9e: {  	s9 =	simm.s32 $0x0;
	s21 =	sshll.u32 s7, $0x1;
	s7 =	sadd.s32 s22, s5  }
0x9f: {  	[timem:s9], [sflag:s23] =	dma.local [hbm:s7], s21  }
0xa0: {  	_ =	swait.ge [sflag:s23], s21  }
0xa1: {  	s6 =	ssub.s32 $0x0, s21;
	[sflag:s23] =	ssyncset.done $0x0  }
0xa2: {  	[sflag:s23] =	ssyncadd.s32 s6;
	_ =	sdelay $0x1  }
0xa3: {  	s24 =	simm.s32 $0x1B8B  }
0xa4: {  	_ =	swait.ge [sflag:s24], $0x1  }
0xa5: {  	[sflag:s24] =	ssyncset.done $0x0  }
0xa6: {  	s25 =	simm.s32 $0x1B8E;
	[sflag:s24] =	ssyncadd.s32 $0xFFFFFFFF  }
0xa7: {  	s26 =	simm.s32 $execute0_lowered;
	[smem:$0x3FD2] =	sst s25  }
0xa8: {  	s6 =	sshll.u32 s26, $0x1;
	_ =	strace $0x80000046;
	[dreg:$0x1] =	wrdreg $0xFFFFFFFF  }
0xa9: {  	s28 =	simm.s32 $_size_execute0_lowered;
	s5 =	sadd.s32 s5, s6;
	[dreg:$0x0] =	wrdreg $0x0  }
0xaa: {  	s6 =	sshll.u32 s28, $0x1;
	[dreg:$0x2] =	wrdreg s5  }
0xab: {  	[dreg:$0x3] =	wrdreg s6  }
0xac: {  	[dreg:$0x4] =	wrdreg $0xC0  }
0xad: {  	_ =	task [dreg:s9], $0x5FFFF  }
0xae: {  	[dreg:$0x1] =	wrdreg $0xFFFFFFFF  }
0xaf: {  	[dreg:$0x0] =	wrdreg $0x60  }
0xb0: {  	[dreg:$0x2] =	wrdreg s2  }
0xb1: {  	[dreg:$0x3] =	wrdreg s19  }
0xb2: {  	[dreg:$0x4] =	wrdreg s4  }
0xb3: {  	[dreg:$0x5] =	wrdreg $0x9  }
0xb4: {  	_ =	task.clear_ibuf [dreg:s9], $0x6FFFF;
	_ =	strace $0x90000046  }
0xb5: {  	s29 =	simm.s32 $0x9;
	_ =	strace $0x80000048  }
0xb6: {  	_ =	swait.ge [sflag:s29], $0x1  }
0xb7: {  	[sflag:s29] =	ssyncadd.s32 $0xFFFFFFFF  }
0xb8: {  	_ =	strace $0x90000048  }
0xb9: {  	_ =	sfence  }
0xba: {  	s30 =	sld [smem:$0x0];
	_ =	sdelay $0x2  }
0xbb: {  	s31 =	sshll.u32 s1, $0xD;
	s1 =	sshrl.u32 s1, $0x2  }
0xbc: {  	s3 =	sand.u32 $0x4000, s31;
	s1 =	sadd.s32 s1, s30  }
0xbd: {  	s0 =	sor.u32 s3, s0;
	s1 =	sshll.u32 s1, $0x11  }
0xbe: {  	s0 =	sor.u32 s1, s0  }
0xbf: {  	s0 =	sadd.s32 $0x8F2B, s0  }
0xc0: {  	[sflag:s0] =	ssyncadd.remote.s32 $0x1  }
0xc1: {  	_ =	sfence.sel $0xFFFF  }
0xc2: {  	[dreg:$0x0] =	wrdreg $0xFFFFFFFF;
	(pc) =	sbr.abs _section_cstart, $3  }
0xc3: {  	[dreg:$0x1] =	wrdreg $0xFFFFFFFF  }
0xc4: {  	_ =	task.clear_ibuf [dreg:s9], $0x2FFFF;
	_ =	strace $0x9FFFFFFF  }
0xc5: {  	(tm) =	ssettm $0x7FFFFFFF  }
tec
execute0_lowered:
.L_overlay_start_1:
0x0: {  	(tag) =	ssettag $0x1  }
0x1: {  	s9 =	rddreg [dreg:$0x0]  }
0x2: {  	v44 =	vlaneseq.u32;
	s0 =	rddreg [dreg:$0x1]  }
0x3: {  	s1 =	rddreg [dreg:$0x2];
	s3 =	simm.s32 $0x0;
	v0 =	vor.u32 $0x70, v44  }
0x4: {  	s2 =	srdreg.scid;
	v9 =	vor.u32 $0x60, v44;
	[smem:$0x7FF] =	sst s3;
	[tilespmem:$0x1FCB0] =	vst v0  }
0x5: {  	v1 =	vor.u32 $0x400, v44;
	s8 =	sand.u32 $0x1, s2;
	s2 =	rddreg [dreg:$0x3];
	_ =	strace $0x80000047;
	[tilespmem:$0x1FD10] =	vst v9  }
0x6: {  	v2 =	vor.u32 $0x410, v44;
	[tilespmem:$0x1FD20] =	vst v1  }
0x7: {  	v60 =	vor.u32 $0x420, v44;
	[tilespmem:$0x1FD30] =	vst v2  }
0x8: {  	v61 =	vor.u32 $0x430, v44;
	[tilespmem:$0x1FD40] =	vst v60  }
0x9: {  	v51 =	vor.u32 $0x440, v44;
	[tilespmem:$0x1FD50] =	vst v61  }
0xa: {  	v59 =	vor.u32 $0x450, v44;
	[tilespmem:$0x1FD60] =	vst v51  }
0xb: {  	v48 =	vor.u32 $0x460, v44;
	[tilespmem:$0x1FD70] =	vst v59  }
0xc: {  	v52 =	vor.u32 $0x470, v44;
	[tilespmem:$0x1FD80] =	vst v48  }
0xd: {  	v12 =	vor.u32 $0x1000, v44;
	[tilespmem:$0x1FD90] =	vst v52  }
0xe: {  	v49 =	vor.u32 $0x1010, v44;
	[tilespmem:$0x1FDA0] =	vst v12  }
0xf: {  	v22 =	vor.u32 $0x1020, v44;
	[tilespmem:$0x1FDB0] =	vst v49  }
0x10: {  	v10 =	vor.u32 $0x1030, v44;
	[tilespmem:$0x1FDC0] =	vst v22  }
0x11: {  	v3 =	vor.u32 $0x1040, v44;
	[tilespmem:$0x1FDD0] =	vst v10  }
0x12: {  	v18 =	vor.u32 $0x1050, v44;
	[tilespmem:$0x1FDE0] =	vst v3  }
0x13: {  	v13 =	vor.u32 $0x1060, v44;
	[tilespmem:$0x1FDF0] =	vst v18  }
0x14: {  	v53 =	vor.u32 $0x1400, v44;
	[tilespmem:$0x1FE00] =	vst v13  }
0x15: {  	v28 =	vor.u32 $0x1410, v44;
	[tilespmem:$0x1FE10] =	vst v53  }
0x16: {  	v29 =	vor.u32 $0x1430, v44;
	[tilespmem:$0x1FE20] =	vst v28  }
0x17: {  	v31 =	vor.u32 $0x1440, v44;
	[tilespmem:$0x1FE30] =	vst v29  }
0x18: {  	v17 =	vor.u32 $0x1450, v44;
	[tilespmem:$0x1FE40] =	vst v31  }
0x19: {  	v43 =	vmul.u32 $0x20, v44;
	v35 =	vor.u32 $0x1460, v44;
	[tilespmem:$0x1FE50] =	vst v17  }
0x1a: {  	v36 =	vor.u32 $0x1470, v44;
	[tilespmem:$0x1FE60] =	vst v35  }
0x1b: {  	v0 =	vor.u32 $0xE10, v43;
	[tilespmem:$0x1FE70] =	vst v36  }
0x1c: {  	v11 =	vor.u32 $0x600, v43;
	[tilespmem:$0x1FCC0] =	vst v0  }
0x1d: {  	v54 =	vor.u32 $0x800, v43;
	[tilespmem:$0x1FE80] =	vst v11  }
0x1e: {  	v14 =	vor.u32 $0xA00, v43;
	[tilespmem:$0x1FE90] =	vst v54  }
0x1f: {  	v15 =	vor.u32 $0xC00, v43;
	[tilespmem:$0x1FEA0] =	vst v14  }
0x20: {  	v16 =	vor.u32 $0xE00, v43;
	[tilespmem:$0x1FEB0] =	vst v15  }
0x21: {  	v33 =	vor.u32 $0x1000, v43;
	[tilespmem:$0x1FEC0] =	vst v16  }
0x22: {  	v19 =	vor.u32 $0x1200, v43;
	[tilespmem:$0x1FED0] =	vst v33  }
0x23: {  	v21 =	vor.u32 $0x1400, v43;
	[tilespmem:$0x1FEE0] =	vst v19  }
0x24: {  	v25 =	vor.u32 $0x1600, v43;
	[tilespmem:$0x1FEF0] =	vst v21  }
0x25: {  	v26 =	vor.u32 $0x1800, v43;
	[tilespmem:$0x1FF00] =	vst v25  }
0x26: {  	v27 =	vor.u32 $0x1A00, v43;
	[tilespmem:$0x1FF10] =	vst v26  }
0x27: {  	v30 =	vor.u32 $0x1C00, v43;
	[tilespmem:$0x1FF20] =	vst v27  }
0x28: {  	v32 =	vor.u32 $0x1E00, v43;
	[tilespmem:$0x1FF30] =	vst v30  }
0x29: {  	v20 =	vor.u32 $0x10, v43;
	[tilespmem:$0x1FF40] =	vst v32  }
0x2a: {  	v34 =	vor.u32 $0x210, v43;
	[tilespmem:$0x1FF50] =	vst v20  }
0x2b: {  	v24 =	vor.u32 $0x410, v43;
	[tilespmem:$0x1FF60] =	vst v34  }
0x2c: {  	v55 =	vor.u32 $0x610, v43;
	[tilespmem:$0x1FF70] =	vst v24  }
0x2d: {  	s22 =	stileid.u32;
	s14 =	simm.s32 $0x800;
	v58 =	vor.u32 $0x810, v43;
	[tilespmem:$0x1FF80] =	vst v55  }
0x2e: {  	s15 =	simm.s32 $0x7A1400;
	s16 =	simm.s32 $0x2000;
	s17 =	simm.s32 $0x1;
	v6 =	vor.u32 $0xA10, v43;
	[tilespmem:$0x1FF90] =	vst v58  }
0x2f: {  	s18 =	simm.s32 $0x4000;
	s19 =	simm.s32 $0x2;
	s20 =	simm.s32 $0x4;
	v5 =	vor.u32 $0xC10, v43;
	[tilespmem:$0x1FFA0] =	vst v6  }
0x30: {  	s21 =	simm.s32 $0x6000;
	s23 =	simm.s32 $0x5;
	s4 =	sshll.u32 s22, $0x1;
	v8 =	vor.u32 $0x1410, v43;
	[tilespmem:$0x1FFB0] =	vst v5  }
0x31: {  	p0 =	sne.s32 s22, $0x0;
	s22 =	simm.s32 $0x3;
	s24 =	sor.u32 s8, s4;
	v23 =	vor.u32 $0x1810, v43;
	[tilespmem:$0x1FFC0] =	vst v8  }
0x32: {  	s5 =	ssub.s32 $0x2, s8;
	s10 =	sor.u32 $0xF40, s8;
	s4 =	sshll.u32 s24, $0x8;
	v7 =	vor.u32 $0x1A10, v43;
	[tilespmem:$0x1FFD0] =	vst v23  }
0x33: {  	s6 =	sshrl.u32 s5, $0x1;
	s13 =	sshll.u32 s24, $0xA;
	s11 =	sshll.u32 s10, $0x8;
	v4 =	vor.u32 $0x1E10, v43;
	[tilespmem:$0x1FFE0] =	vst v7  }
.Ltmp0:
0x34: {  	v45 =	vor.u32 $0x10, v44;
	v42 =	vor.u32 $0x20, v44;
	s10 =	sshll.u32 s10, $0xA;
	p1 =	sne.s32 s24, $0x2;
	v0 =	vor.u32 $0x1010, v43;
	[tilespmem:$0x1FFF0] =	vst v4;
	(pc) =	sbr.rel .LBB2_1-.Ltmp0, $4  }
0x35: {  	v46 =	vor.u32 $0x30, v44;
	v47 =	vor.u32 $0x40, v44;
	s24 =	simm.s32 $0x0;
	s4 =	sadd.s32 s9, s4;
	s12 =	ssub.s32 s5, s6;
	[tilespmem:$0x1FCD0] =	vst v0;
	v0 =	vor.u32 $0x1210, v43  }
0x36: {  	v41 =	vor.u32 $0x50, v44;
	v39 =	vor.u32 $0x1070, v44;
	s6 =	sadd.s32 s1, s13;
	s9 =	sadd.s32 s9, s11;
	s10 =	sadd.s32 s1, s10;
	[tilespmem:$0x1FCE0] =	vst v0;
	v0 =	vor.u32 $0x1610, v43  }
0x37: {  	s11 =	sadd.s32 $0x3D0800, s1;
	s13 =	sor.u32 $0x8000, s13;
	s5 =	sadd.s32 $0x2000, s4;
	[tilespmem:$0x1FCF0] =	vst v0;
	v0 =	vor.u32 $0x1C10, v43  }
0x38: {  	v40 =	vor.u32 $0x1420, v44;
	v37 =	vor.u32 $0x200, v43;
	v38 =	vor.u32 $0x400, v43;
	s7 =	sadd.s32 $0x4000, s4;
	s8 =	sadd.s32 $0x6000, s4;
	s12 =	smax.u32 s12, $0x1;
	[tilespmem:$0x1FD00] =	vst v0  }
.LBB2_12:
0x39: {  	_ =	swait.ge [sflag:s22], $0x2000  }
0x3a: {  	[sflag:s22] =	ssyncset.done $0x0  }
0x3b: {  	[sflag:s22] =	ssyncadd.s32 $0xFFFFE000  }
0x3c: {  	_ =	swait.ge [sflag:s20], $0x2000  }
0x3d: {  	v9 =	vld [tilespmem:$0x1FD10]  }
0x3e: {  	v1 =	vld [tilespmem:$0x1FD20]  }
0x3f: {  	v60 =	vld [tilespmem:$0x1FD40]  }
0x40: {  	v61 =	vld [tilespmem:$0x1FD50]  }
0x41: {  	v59 =	vld [tilespmem:$0x1FD70]  }
0x42: {  	v22 =	vld [tilespmem:$0x1FDC0]  }
0x43: {  	v10 =	vld [tilespmem:$0x1FDD0]  }
0x44: {  	v3 =	vld [tilespmem:$0x1FDE0]  }
0x45: {  	v18 =	vld [tilespmem:$0x1FDF0]  }
0x46: {  	v13 =	vld [tilespmem:$0x1FE00]  }
0x47: {  	v28 =	vld [tilespmem:$0x1FE20]  }
.Ltmp1:
0x48: {  	v29 =	vld [tilespmem:$0x1FE30];
	(pc) =	sbr.rel @!p0 .LBB2_13-.Ltmp1, $4  }
0x49: {  	v25 =	vmov v31;
	v31 =	vld [tilespmem:$0x1FE40]  }
0x4a: {  	v17 =	vld [tilespmem:$0x1FE50]  }
0x4b: {  	[sflag:s20] =	ssyncset.done $0x0;
	v35 =	vld [tilespmem:$0x1FE60]  }
0x4c: {  	v36 =	vld [tilespmem:$0x1FE70];
	[sflag:s20] =	ssyncadd.s32 $0xFFFFE000  }
.LBB2_16:
0x4d: {  	s25 =	simm.s32 @!p1 $0x0;
	s26 =	simm.s32 @!p1 $0x4000;
	s28 =	simm.s32 @!p1 $0x5  }
0x4e: {  	[tilespmem:s26], [sflag:$0x5] =	stream.linear.gather @!p1 [hbm4b:s0+s25], $0x800, $0x38;
	[tilespmem:$0x8000] =	vst v63  }
0x4f: {  	_ =	swait.ge @!p1 [sflag:s28], $0x800  }
0x50: {  	s24 =	sadd.s32 $0x1, s24;
	[sflag:s28] =	ssyncset.done @!p1 $0x0  }
0x51: {  	p2 =	sne.s32 s24, s12;
	[sflag:s28] =	ssyncadd.s32 @!p1 $0xFFFFF800  }
0x52: {  	[hbm4b:s11+s25] =	stream.linear.scatter @!p1 [tilespmem:s26], [sflag:$0x5], $0x800, $0x38;
	[tilespmem:$0x8000] =	vst v63  }
.Ltmp2:
0x53: {  	_ =	swait.ge @!p1 [sflag:s28], $0x800;
	(pc) =	sbr.rel @!p2 .LBB2_17-.Ltmp2, $4  }
0x54: {  	v48 =	vld [tilespmem:$0x1FD80]  }
0x55: {  	v12 =	vld [tilespmem:$0x1FDA0]  }
0x56: {  	[sflag:s28] =	ssyncset.done @!p1 $0x0;
	v49 =	vld [tilespmem:$0x1FDB0]  }
0x57: {  	v37 =	vmov v57;
	v38 =	vmov v63;
	v53 =	vld [tilespmem:$0x1FE10];
	[sflag:s28] =	ssyncadd.s32 @!p1 $0xFFFFF800  }
.LBB2_1:
0x58: {  	[tilespmem:s3], [sflag:$0x1] =	stream.strided.gather [hbm4b:s4+s14], $0x2000, s15, s14, $0x38;
	[tilespmem:$0x8000] =	vst v63  }
0x59: {  	s25 =	simm.s32 $0x0  }
0x5a: {  	[tilespmem:s16], [sflag:$0x2] =	stream.strided.gather [hbm4b:s5+s14], $0x2000, s15, s14, $0x38;
	[tilespmem:$0x8000] =	vst v63  }
.LBB2_2:
0x5b: {  	_ =	swait.ge [sflag:s17], $0x2000  }
0x5c: {  	s26 =	simm.s32 $0x0;
	p2 =	seq.s32 s25, $0x0;
	[sflag:s17] =	ssyncset.done $0x0  }
0x5d: {  	v0 =	vadd.s32 s26, v44;
	s26 =	simm.s32 @!p2 $0x3;
	[sflag:s17] =	ssyncadd.s32 $0xFFFFE000  }
0x5e: {  	_ =	swait.ge @!p2 [sflag:s26], $0x2000  }
0x5f: {  	v4 =	vld [tilespmem:$0x1FCB0];
	_ =	sdelay $0x1  }
0x60: {  	v1 =	vshll.u32 v0, $0x8;
	v2 =	vshll.u32 v0, $0x7  }
0x61: {  	v1 =	vand.u32 $0x800, v1;
	v2 =	vand.u32 $0x380, v2  }
0x62: {  	v23 =	vor.u32 v2, v1  }
0x63: {  	v5 =	vor.u32 v4, v23;
	v4 =	vld [tilespmem:$0x1FD20];
	_ =	sdelay $0x1  }
0x64: {  	v2 =	vor.u32 v12, v23  }
0x65: {  	v1 =	vor.u32 v3, v23  }
0x66: {  	v3 =	vor.u32 v49, v23  }
0x67: {  	[sflag:s26] =	ssyncset.done @!p2 $0x0;
	v6 =	vor.u32 v4, v23  }
0x68: {  	[sflag:s26] =	ssyncadd.s32 @!p2 $0xFFFFE000;
	v7 =	vor.u32 v9, v23  }
0x69: {  	v4 =	vld.idx.msk [tilespmem:v2+s3+$0x0], $0xffff;
	v2 =	vor.u32 v47, v23  }
0x6a: {  	v8 =	vor.u32 v41, v23;
	v1 =	vld.idx.msk [tilespmem:v1+s3+$0x0], $0xffff  }
0x6b: {  	v3 =	vld.idx.msk [tilespmem:v3+s3+$0x0], $0xffff  }
0x6c: {  	v11 =	vld.idx.msk [tilespmem:v6+s3+$0x0], $0xffff;
	v6 =	vor.u32 v60, v23  }
0x6d: {  	v15 =	vld.idx.msk [tilespmem:v7+s3+$0x0], $0xffff  }
0x6e: {  	v20 =	vld.idx.msk [tilespmem:v2+s3+$0x0], $0xffff;
	v2 =	vor.u32 v45, v23  }
0x6f: {  	v17 =	vor.u32 v17, v23;
	v16 =	vld.idx.msk [tilespmem:v8+s3+$0x0], $0xffff  }
0x70: {  	v12 =	vld.idx.msk [tilespmem:v5+s3+$0x0], $0xffff  }
0x71: {  	v9 =	vor.u32 v42, v23;
	v14 =	vld.idx.msk [tilespmem:v6+s3+$0x0], $0xffff  }
0x72: {  	v5 =	vor.u32 v61, v23;
	v6 =	vld [tilespmem:$0x1FD30]  }
0x73: {  	v21 =	vor.u32 v46, v23;
	v32 =	vld.idx.msk [tilespmem:v2+s3+$0x0], $0xffff  }
0x74: {  	v7 =	vor.u32 v44, v23;
	v2 =	vld.idx.msk [tilespmem:v17+s3+$0x0], $0xffff  }
0x75: {  	v17 =	vld [tilespmem:$0x1FD60]  }
0x76: {  	v27 =	vld.idx.msk [tilespmem:v9+s3+$0x0], $0xffff;
	v9 =	vor.u32 v13, v23  }
0x77: {  	v13 =	vld.idx.msk [tilespmem:v5+s3+$0x0], $0xffff;
	v5 =	vor.u32 v22, v23  }
0x78: {  	v8 =	vor.u32 v10, v23;
	v33 =	vld.idx.msk [tilespmem:v21+s3+$0x0], $0xffff  }
0x79: {  	v18 =	vor.u32 v18, v23;
	v30 =	vld.idx.msk [tilespmem:v7+s3+$0x0], $0xffff  }
0x7a: {  	v19 =	vor.u32 v6, v23;
	v26 =	vor.u32 v17, v23;
	v17 =	vld [tilespmem:$0x1FD90]  }
0x7b: {  	v6 =	vld.idx.msk [tilespmem:v9+s3+$0x0], $0xffff;
	v9 =	vor.u32 v59, v23  }
0x7c: {  	v10 =	vld.idx.msk [tilespmem:v5+s3+$0x0], $0xffff;
	v5 =	vor.u32 v48, v23  }
0x7d: {  	v7 =	vld.idx.msk [tilespmem:v8+s3+$0x0], $0xffff;
	v22 =	vor.u32 v39, v23  }
0x7e: {  	v8 =	vld.idx.msk [tilespmem:v18+s3+$0x0], $0xffff  }
0x7f: {  	v25 =	vld.idx.msk [tilespmem:v19+s3+$0x0], $0xffff;
	v34 =	vor.u32 v17, v23  }
0x80: {  	v18 =	vld.idx.msk [tilespmem:v9+s3+$0x0], $0xffff  }
0x81: {  	v58 =	vmov v29;
	v55 =	vmov v31;
	v54 =	vmov v36;
	v17 =	vld.idx.msk [tilespmem:v5+s3+$0x0], $0xffff  }
0x82: {  	v24 =	vor.u32 v53, v23;
	v29 =	vor.u32 v29, v23;
	v31 =	vor.u32 v31, v23;
	v9 =	vld.idx.msk [tilespmem:v22+s3+$0x0], $0xffff  }
0x83: {  	v61 =	vmovc v28;
	v28 =	vor.u32 v28, v23;
	v60 =	vmov v53;
	v26 =	vld.idx.msk [tilespmem:v26+s3+$0x0], $0xffff;
	v19 =	vor.u32 v36, v23  }
0x84: {  	s28 =	simm.s32 $0x1;
	s26 =	sshll.u32 s25, $0xE;
	v59 =	vmovc v35;
	v5 =	vand.u32 $0xF, v0;
	v22 =	vor.u32 v35, v23;
	v21 =	vld.idx.msk [tilespmem:v34+s3+$0x0], $0xffff;
	v34 =	vor.u32 v40, v23  }
.LBB2_3:
0x85: {  	_ =	sdelay $0x2  }
0x86: {  	v19 =	vld.idx.msk [tilespmem:v19+s3+$0x0], $0xffff  }
0x87: {  	v22 =	vld.idx.msk [tilespmem:v22+s3+$0x0], $0xffff  }
0x88: {  	v23 =	vld.idx.msk [tilespmem:v31+s3+$0x0], $0xffff  }
0x89: {  	v35 =	vld.idx.msk [tilespmem:v29+s3+$0x0], $0xffff  }
0x8a: {  	v31 =	vor.u32 v43, v5;
	v34 =	vld.idx.msk [tilespmem:v34+s3+$0x0], $0xffff  }
0x8b: {  	v29 =	vor.u32 v37, v5;
	v57 =	vmov v37;
	v37 =	vld.idx.msk [tilespmem:v28+s3+$0x0], $0xffff  }
0x8c: {  	v28 =	vld [tilespmem:$0x1FE80]  }
0x8d: {  	v36 =	vor.u32 v38, v5;
	v63 =	vmov v38;
	v38 =	vld.idx.msk [tilespmem:v24+s3+$0x0], $0xffff  }
0x8e: {  	v24 =	vld [tilespmem:$0x1FE90]  }
0x8f: {  	[tilespmem:v31+s18+$0x0] =	vst.idx.msk $0xffff, v30;
	v30 =	vld [tilespmem:$0x1FEA0];
	_ =	sdelay $0x2  }
0x90: {  	v28 =	vor.u32 v28, v5  }
0x91: {  	v62 =	vld [tilespmem:$0x1FFF0];
	v24 =	vor.u32 v24, v5  }
0x92: {  	v31 =	vld [tilespmem:$0x1FD00];
	v30 =	vor.u32 v30, v5  }
0x93: {  	[tilespmem:v29+s18+$0x0] =	vst.idx.msk $0xffff, v32;
	v29 =	vld [tilespmem:$0x1FEB0]  }
0x94: {  	[tilespmem:v36+s18+$0x0] =	vst.idx.msk $0xffff, v27;
	v27 =	vld [tilespmem:$0x1FEC0]  }
0x95: {  	[tilespmem:v28+s18+$0x0] =	vst.idx.msk $0xffff, v33;
	v28 =	vld [tilespmem:$0x1FED0]  }
0x96: {  	[tilespmem:v24+s18+$0x0] =	vst.idx.msk $0xffff, v20;
	v20 =	vld [tilespmem:$0x1FEE0]  }
0x97: {  	[tilespmem:v30+s18+$0x0] =	vst.idx.msk $0xffff, v16;
	v16 =	vld [tilespmem:$0x1FEF0]  }
0x98: {  	v29 =	vor.u32 v29, v5  }
0x99: {  	v27 =	vor.u32 v27, v5  }
0x9a: {  	v56 =	vmov v39;
	v28 =	vor.u32 v28, v5  }
0x9b: {  	v39 =	vor.u32 v62, v0;
	v62 =	vmovc v40;
	v40 =	vor.u32 v31, v0;
	v31 =	vld [tilespmem:$0x1FFE0];
	v20 =	vor.u32 v20, v5  }
0x9c: {  	v24 =	vld [tilespmem:$0x1FFC0];
	v16 =	vor.u32 v16, v5  }
0x9d: {  	[tilespmem:v29+s18+$0x0] =	vst.idx.msk $0xffff, v15;
	v15 =	vld [tilespmem:$0x1FF00]  }
0x9e: {  	[tilespmem:v27+s18+$0x0] =	vst.idx.msk $0xffff, v12;
	v12 =	vld [tilespmem:$0x1FF10]  }
0x9f: {  	[tilespmem:v28+s18+$0x0] =	vst.idx.msk $0xffff, v11;
	v11 =	vld [tilespmem:$0x1FF20]  }
0xa0: {  	[tilespmem:v20+s18+$0x0] =	vst.idx.msk $0xffff, v25;
	v20 =	vld [tilespmem:$0x1FF30]  }
0xa1: {  	[tilespmem:v16+s18+$0x0] =	vst.idx.msk $0xffff, v14;
	v14 =	vld [tilespmem:$0x1FF40];
	_ =	sdelay $0x2  }
0xa2: {  	v32 =	vor.u32 v31, v0;
	v31 =	vld [tilespmem:$0x1FFD0]  }
0xa3: {  	v52 =	vmovc v41;
	v41 =	vor.u32 v24, v0;
	v24 =	vld [tilespmem:$0x1FCE0];
	v15 =	vor.u32 v15, v5;
	v12 =	vor.u32 v12, v5  }
0xa4: {  	v11 =	vor.u32 v11, v5;
	v20 =	vor.u32 v20, v5;
	v14 =	vor.u32 v14, v5;
	v5 =	vld [tilespmem:$0x1FF90];
	_ =	sdelay $0x2  }
0xa5: {  	v36 =	vor.u32 v31, v0;
	v31 =	vld [tilespmem:$0x1FCF0]  }
0xa6: {  	v30 =	vor.u32 v24, v0;
	v24 =	vld [tilespmem:$0x1FCD0]  }
0xa7: {  	v16 =	vor.u32 v5, v0;
	v5 =	vld [tilespmem:$0x1FF50];
	_ =	sdelay $0x1  }
0xa8: {  	s29 =	smov.u32 s28  }
0xa9: {  	v28 =	vadd.s32 s29, v44  }
0xaa: {  	v49 =	vmov v42;
	v29 =	vshll.u32 v28, $0x8;
	v42 =	vor.u32 v24, v0;
	v24 =	vld [tilespmem:$0x1FCC0];
	[tilespmem:v15+s18+$0x0] =	vst.idx.msk $0xffff, v13  }
0xab: {  	v33 =	vor.u32 v31, v0;
	v31 =	vshll.u32 v28, $0x7;
	[tilespmem:v12+s18+$0x0] =	vst.idx.msk $0xffff, v26;
	v13 =	vor.u32 v5, v0;
	v5 =	vld [tilespmem:$0x1FF60]  }
0xac: {  	v12 =	vand.u32 $0x800, v29;
	v26 =	vand.u32 $0x380, v31;
	[tilespmem:v11+s18+$0x0] =	vst.idx.msk $0xffff, v18;
	v11 =	vld [tilespmem:$0x1FF70]  }
0xad: {  	v53 =	vmov v43;
	v43 =	vor.u32 v26, v12;
	v12 =	vld [tilespmem:$0x1FF80];
	_ =	sdelay $0x2  }
0xae: {  	v25 =	vld [tilespmem:$0x1FFA0];
	v15 =	vor.u32 v5, v0  }
0xaf: {  	v27 =	vor.u32 v24, v0;
	v24 =	vld [tilespmem:$0x1FFB0];
	v11 =	vor.u32 v11, v0  }
0xb0: {  	[tilespmem:v20+s18+$0x0] =	vst.idx.msk $0xffff, v17;
	v12 =	vor.u32 v12, v0  }
0xb1: {  	[tilespmem:v14+s18+$0x0] =	vst.idx.msk $0xffff, v21  }
0xb2: {  	[tilespmem:v13+s18+$0x0] =	vst.idx.msk $0xffff, v4  }
0xb3: {  	v25 =	vor.u32 v25, v0;
	[tilespmem:v15+s18+$0x0] =	vst.idx.msk $0xffff, v3;
	v3 =	vld [tilespmem:$0x1FD30]  }
0xb4: {  	v24 =	vor.u32 v24, v0;
	[tilespmem:v11+s18+$0x0] =	vst.idx.msk $0xffff, v10  }
0xb5: {  	[tilespmem:v12+s18+$0x0] =	vst.idx.msk $0xffff, v7  }
0xb6: {  	[tilespmem:v16+s18+$0x0] =	vst.idx.msk $0xffff, v1;
	v1 =	vld [tilespmem:$0x1FDC0];
	_ =	sdelay $0x1  }
0xb7: {  	[tilespmem:v25+s18+$0x0] =	vst.idx.msk $0xffff, v8;
	v26 =	vor.u32 v3, v43;
	v3 =	vld [tilespmem:$0x1FD40]  }
0xb8: {  	v4 =	vld [tilespmem:$0x1FD10];
	[tilespmem:v24+s18+$0x0] =	vst.idx.msk $0xffff, v6  }
0xb9: {  	[tilespmem:v27+s18+$0x0] =	vst.idx.msk $0xffff, v9  }
0xba: {  	[tilespmem:v42+s18+$0x0] =	vst.idx.msk $0xffff, v38;
	v10 =	vor.u32 v1, v43;
	v1 =	vld [tilespmem:$0x1FDD0]  }
0xbb: {  	[tilespmem:v30+s18+$0x0] =	vst.idx.msk $0xffff, v37  }
0xbc: {  	v17 =	vor.u32 v44, v43;
	[tilespmem:v41+s18+$0x0] =	vst.idx.msk $0xffff, v34;
	v44 =	vor.u32 v3, v43;
	v3 =	vld [tilespmem:$0x1FD60]  }
0xbd: {  	v13 =	vor.u32 v4, v43;
	[tilespmem:v33+s18+$0x0] =	vst.idx.msk $0xffff, v35  }
0xbe: {  	v4 =	vld [tilespmem:$0x1FCB0];
	[tilespmem:v36+s18+$0x0] =	vst.idx.msk $0xffff, v23  }
0xbf: {  	[tilespmem:v32+s18+$0x0] =	vst.idx.msk $0xffff, v2;
	v7 =	vor.u32 v1, v43;
	v1 =	vld [tilespmem:$0x1FDF0]  }
0xc0: {  	v18 =	vor.u32 v45, v43;
	v16 =	vor.u32 v52, v43;
	v2 =	vld [tilespmem:$0x1FE50];
	[tilespmem:v40+s18+$0x0] =	vst.idx.msk $0xffff, v22  }
0xc1: {  	v48 =	vmov v45;
	v6 =	vor.u32 v49, v43;
	[tilespmem:v39+s18+$0x0] =	vst.idx.msk $0xffff, v19;
	v45 =	vor.u32 v3, v43;
	v3 =	vld [tilespmem:$0x1FD70]  }
0xc2: {  	v15 =	vld.idx.msk [tilespmem:v13+s3+$0x0], $0xffff  }
0xc3: {  	v13 =	vld [tilespmem:$0x1FD80]  }
0xc4: {  	v8 =	vor.u32 v1, v43;
	v1 =	vld [tilespmem:$0x1FE00]  }
0xc5: {  	v16 =	vld.idx.msk [tilespmem:v16+s3+$0x0], $0xffff  }
0xc6: {  	v21 =	vor.u32 v46, v43;
	v27 =	vld.idx.msk [tilespmem:v6+s3+$0x0], $0xffff  }
0xc7: {  	v30 =	vld.idx.msk [tilespmem:v17+s3+$0x0], $0xffff  }
0xc8: {  	v32 =	vld.idx.msk [tilespmem:v18+s3+$0x0], $0xffff  }
0xc9: {  	v25 =	vor.u32 v1, v43;
	v1 =	vld [tilespmem:$0x1FD50]  }
0xca: {  	v10 =	vld.idx.msk [tilespmem:v10+s3+$0x0], $0xffff;
	v2 =	vor.u32 v2, v43  }
0xcb: {  	v33 =	vld.idx.msk [tilespmem:v21+s3+$0x0], $0xffff  }
0xcc: {  	v50 =	vmov v46;
	v46 =	vor.u32 v3, v43;
	v3 =	vld [tilespmem:$0x1FD90]  }
0xcd: {  	v7 =	vld.idx.msk [tilespmem:v7+s3+$0x0], $0xffff  }
0xce: {  	v9 =	vor.u32 v1, v43;
	v1 =	vld [tilespmem:$0x1FD20]  }
0xcf: {  	v22 =	vor.u32 v13, v43;
	v2 =	vld.idx.msk [tilespmem:v2+s3+$0x0], $0xffff  }
0xd0: {  	v8 =	vld.idx.msk [tilespmem:v8+s3+$0x0], $0xffff  }
0xd1: {  	v51 =	vmov v47;
	v14 =	vor.u32 v47, v43;
	v47 =	vor.u32 v3, v43;
	v3 =	vld [tilespmem:$0x1FDA0]  }
0xd2: {  	v18 =	vld.idx.msk [tilespmem:v46+s3+$0x0], $0xffff  }
0xd3: {  	v11 =	vor.u32 v1, v43;
	v1 =	vld [tilespmem:$0x1FDB0]  }
0xd4: {  	v17 =	vld.idx.msk [tilespmem:v22+s3+$0x0], $0xffff  }
0xd5: {  	v6 =	vld.idx.msk [tilespmem:v25+s3+$0x0], $0xffff  }
0xd6: {  	v23 =	vor.u32 v56, v43;
	v25 =	vld.idx.msk [tilespmem:v26+s3+$0x0], $0xffff  }
0xd7: {  	v26 =	vld.idx.msk [tilespmem:v45+s3+$0x0], $0xffff;
	v3 =	vor.u32 v3, v43  }
0xd8: {  	v12 =	vor.u32 v1, v43;
	v1 =	vld [tilespmem:$0x1FDE0]  }
0xd9: {  	v21 =	vld.idx.msk [tilespmem:v47+s3+$0x0], $0xffff  }
0xda: {  	v20 =	vor.u32 v4, v43;
	v13 =	vld.idx.msk [tilespmem:v9+s3+$0x0], $0xffff  }
0xdb: {  	v9 =	vld.idx.msk [tilespmem:v23+s3+$0x0], $0xffff  }
0xdc: {  	v4 =	vld.idx.msk [tilespmem:v3+s3+$0x0], $0xffff  }
0xdd: {  	p3 =	sne.s32 s28, $0xF;
	v11 =	vld.idx.msk [tilespmem:v11+s3+$0x0], $0xffff;
	v1 =	vor.u32 v1, v43  }
.Ltmp3:
0xde: {  	v29 =	vor.u32 v58, v43;
	v31 =	vor.u32 v55, v43;
	v3 =	vld.idx.msk [tilespmem:v12+s3+$0x0], $0xffff;
	(pc) =	sbr.rel @p3 .LBB2_3-.Ltmp3, $4  }
0xdf: {  	v5 =	vand.u32 $0xF, v28;
	v0 =	vmovc v28;
	v28 =	vor.u32 v61, v43;
	v24 =	vor.u32 v60, v43;
	v12 =	vld.idx.msk [tilespmem:v20+s3+$0x0], $0xffff  }
0xe0: {  	v38 =	vmovc v63;
	v42 =	vmov v49;
	v37 =	vmov v57;
	v34 =	vor.u32 v62, v43;
	v20 =	vld.idx.msk [tilespmem:v14+s3+$0x0], $0xffff  }
0xe1: {  	v41 =	vmovc v52;
	v40 =	vmovc v62;
	v39 =	vmov v56;
	v19 =	vor.u32 v54, v43;
	v46 =	vmov v50;
	v14 =	vld.idx.msk [tilespmem:v44+s3+$0x0], $0xffff  }
0xe2: {  	s28 =	sadd.s32 $0x1, s28;
	v22 =	vor.u32 v59, v43;
	v45 =	vmovc v48;
	v47 =	vmovc v51;
	v44 =	vlaneseq.u32;
	v43 =	vmov v53;
	v1 =	vld.idx.msk [tilespmem:v1+s3+$0x0], $0xffff  }
0xe3: {  	_ =	sdelay $0x3  }
0xe4: {  	v19 =	vld.idx.msk [tilespmem:v19+s3+$0x0], $0xffff  }
0xe5: {  	v22 =	vld.idx.msk [tilespmem:v22+s3+$0x0], $0xffff  }
0xe6: {  	v59 =	vld [tilespmem:$0x1FE80]  }
0xe7: {  	v60 =	vld [tilespmem:$0x1FE90]  }
0xe8: {  	v23 =	vld.idx.msk [tilespmem:v31+s3+$0x0], $0xffff;
	v58 =	vor.u32 v43, v5  }
0xe9: {  	v29 =	vld.idx.msk [tilespmem:v29+s3+$0x0], $0xffff;
	v35 =	vor.u32 v37, v5  }
0xea: {  	v34 =	vld.idx.msk [tilespmem:v34+s3+$0x0], $0xffff;
	v36 =	vor.u32 v38, v5  }
0xeb: {  	v28 =	vld.idx.msk [tilespmem:v28+s3+$0x0], $0xffff;
	v37 =	vor.u32 v59, v5  }
0xec: {  	v24 =	vld.idx.msk [tilespmem:v24+s3+$0x0], $0xffff;
	v38 =	vor.u32 v60, v5  }
0xed: {  	v61 =	vld [tilespmem:$0x1FEA0];
	[tilespmem:v58+s18+$0x0] =	vst.idx.msk $0xffff, v30  }
0xee: {  	[tilespmem:v35+s18+$0x0] =	vst.idx.msk $0xffff, v32;
	v35 =	vld [tilespmem:$0x1FEB0]  }
0xef: {  	[tilespmem:v36+s18+$0x0] =	vst.idx.msk $0xffff, v27;
	v36 =	vld [tilespmem:$0x1FEC0]  }
0xf0: {  	[tilespmem:v37+s18+$0x0] =	vst.idx.msk $0xffff, v33;
	v37 =	vld [tilespmem:$0x1FED0]  }
0xf1: {  	[tilespmem:v38+s18+$0x0] =	vst.idx.msk $0xffff, v20;
	v38 =	vld [tilespmem:$0x1FEE0]  }
0xf2: {  	v54 =	vld [tilespmem:$0x1FEF0];
	v30 =	vor.u32 v61, v5  }
0xf3: {  	v55 =	vld [tilespmem:$0x1FF00];
	v31 =	vor.u32 v35, v5  }
0xf4: {  	v58 =	vld [tilespmem:$0x1FF10];
	v27 =	vor.u32 v36, v5  }
0xf5: {  	v32 =	vor.u32 v37, v5  }
0xf6: {  	v20 =	vor.u32 v38, v5  }
0xf7: {  	[tilespmem:v30+s18+$0x0] =	vst.idx.msk $0xffff, v16;
	v16 =	vor.u32 v54, v5  }
0xf8: {  	[tilespmem:v31+s18+$0x0] =	vst.idx.msk $0xffff, v15;
	v15 =	vor.u32 v55, v5  }
0xf9: {  	[tilespmem:v27+s18+$0x0] =	vst.idx.msk $0xffff, v12;
	v12 =	vor.u32 v58, v5  }
0xfa: {  	v59 =	vld [tilespmem:$0x1FF20];
	[tilespmem:v32+s18+$0x0] =	vst.idx.msk $0xffff, v11  }
0xfb: {  	v60 =	vld [tilespmem:$0x1FF30];
	[tilespmem:v20+s18+$0x0] =	vst.idx.msk $0xffff, v25  }
0xfc: {  	v61 =	vld [tilespmem:$0x1FF40];
	[tilespmem:v16+s18+$0x0] =	vst.idx.msk $0xffff, v14  }
0xfd: {  	v25 =	vld [tilespmem:$0x1FF50];
	[tilespmem:v15+s18+$0x0] =	vst.idx.msk $0xffff, v13  }
0xfe: {  	[tilespmem:v12+s18+$0x0] =	vst.idx.msk $0xffff, v26;
	v26 =	vld [tilespmem:$0x1FF60]  }
0xff: {  	v27 =	vld [tilespmem:$0x1FF70];
	v11 =	vor.u32 v59, v5  }
0x100: {  	v30 =	vld [tilespmem:$0x1FF80];
	v20 =	vor.u32 v60, v5  }
0x101: {  	v31 =	vld [tilespmem:$0x1FF90];
	v16 =	vor.u32 v61, v5  }
0x102: {  	v32 =	vld [tilespmem:$0x1FFA0];
	v13 =	vor.u32 v25, v0  }
0x103: {  	v33 =	vld [tilespmem:$0x1FFB0];
	v12 =	vor.u32 v26, v0  }
0x104: {  	v35 =	vld [tilespmem:$0x1FCC0];
	[tilespmem:v11+s18+$0x0] =	vst.idx.msk $0xffff, v18;
	v11 =	vor.u32 v27, v0  }
0x105: {  	v36 =	vld [tilespmem:$0x1FCD0];
	v14 =	vor.u32 v30, v0;
	[tilespmem:v20+s18+$0x0] =	vst.idx.msk $0xffff, v17  }
0x106: {  	v37 =	vld [tilespmem:$0x1FCE0];
	v5 =	vor.u32 v31, v0;
	[tilespmem:v16+s18+$0x0] =	vst.idx.msk $0xffff, v21  }
0x107: {  	v38 =	vld [tilespmem:$0x1FFC0];
	[tilespmem:v13+s18+$0x0] =	vst.idx.msk $0xffff, v4;
	v4 =	vor.u32 v32, v0  }
0x108: {  	v54 =	vld [tilespmem:$0x1FCF0];
	[tilespmem:v12+s18+$0x0] =	vst.idx.msk $0xffff, v3;
	v3 =	vor.u32 v33, v0  }
0x109: {  	v55 =	vld [tilespmem:$0x1FFD0];
	[tilespmem:v11+s18+$0x0] =	vst.idx.msk $0xffff, v10;
	v10 =	vor.u32 v35, v0  }
0x10a: {  	v58 =	vld [tilespmem:$0x1FFE0];
	[tilespmem:v14+s18+$0x0] =	vst.idx.msk $0xffff, v7;
	v7 =	vor.u32 v36, v0  }
0x10b: {  	v59 =	vld [tilespmem:$0x1FD00];
	[tilespmem:v5+s18+$0x0] =	vst.idx.msk $0xffff, v1;
	v1 =	vor.u32 v37, v0  }
0x10c: {  	v60 =	vld [tilespmem:$0x1FFF0];
	[tilespmem:v4+s18+$0x0] =	vst.idx.msk $0xffff, v8;
	v4 =	vor.u32 v38, v0  }
0x10d: {  	[tilespmem:v3+s18+$0x0] =	vst.idx.msk $0xffff, v6;
	v3 =	vor.u32 v54, v0  }
0x10e: {  	v5 =	vor.u32 v55, v0;
	[tilespmem:v10+s18+$0x0] =	vst.idx.msk $0xffff, v9  }
0x10f: {  	v6 =	vor.u32 v58, v0;
	[tilespmem:v7+s18+$0x0] =	vst.idx.msk $0xffff, v24  }
0x110: {  	[tilespmem:v1+s18+$0x0] =	vst.idx.msk $0xffff, v28;
	v1 =	vor.u32 v59, v0  }
0x111: {  	v61 =	vor.u32 v60, v0;
	[tilespmem:v4+s18+$0x0] =	vst.idx.msk $0xffff, v34  }
0x112: {  	p3 =	sne.s32 s25, $0x3C;
	[tilespmem:v3+s18+$0x0] =	vst.idx.msk $0xffff, v29  }
.Ltmp4:
0x113: {  	[tilespmem:v5+s18+$0x0] =	vst.idx.msk $0xffff, v23;
	(pc) =	sbr.rel @p3 .LBB2_6-.Ltmp4, $4  }
0x114: {  	[tilespmem:v6+s18+$0x0] =	vst.idx.msk $0xffff, v2  }
0x115: {  	s28 =	sshll.u32 s25, $0x10;
	[tilespmem:v1+s18+$0x0] =	vst.idx.msk $0xffff, v22  }
0x116: {  	s29 =	sadd.s32 s28, s6;
	[tilespmem:v61+s18+$0x0] =	vst.idx.msk $0xffff, v19  }
0x117: {  	[hbm4b:s29+s3] =	stream.linear.scatter [tilespmem:s18], [sflag:$0x3], $0x2000, $0x38;
	[tilespmem:$0x8000] =	vst v63  }
0x118: {  	_ =	swait.ge [sflag:s19], $0x2000  }
0x119: {  	v4 =	vld [tilespmem:$0x1FD10]  }
0x11a: {  	v13 =	vld [tilespmem:$0x1FD40]  }
0x11b: {  	v22 =	vld [tilespmem:$0x1FD70]  }
0x11c: {  	v5 =	vld [tilespmem:$0x1FDA0]  }
0x11d: {  	v14 =	vld [tilespmem:$0x1FDC0]  }
0x11e: {  	v18 =	vld [tilespmem:$0x1FDD0]  }
0x11f: {  	v3 =	vld [tilespmem:$0x1FDE0]  }
0x120: {  	v58 =	vld [tilespmem:$0x1FDF0]  }
0x121: {  	v10 =	vld [tilespmem:$0x1FE00]  }
0x122: {  	v24 =	vld [tilespmem:$0x1FE10]  }
0x123: {  	v28 =	vld [tilespmem:$0x1FE20]  }
.Ltmp5:
0x124: {  	v29 =	vld [tilespmem:$0x1FE30];
	(pc) =	sbr.rel .LBB2_7-.Ltmp5, $4  }
0x125: {  	v31 =	vld [tilespmem:$0x1FE40]  }
0x126: {  	v17 =	vld [tilespmem:$0x1FE50]  }
0x127: {  	[sflag:s19] =	ssyncset.done $0x0;
	v36 =	vld [tilespmem:$0x1FE60]  }
0x128: {  	v59 =	vld [tilespmem:$0x1FE70];
	[sflag:s19] =	ssyncadd.s32 $0xFFFFE000  }
.LBB2_6:
0x129: {  	s29 =	sadd.s32 s26, s7  }
0x12a: {  	[tilespmem:s3], [sflag:$0x1] =	stream.strided.gather [hbm4b:s29+s14], $0x2000, s15, s14, $0x38;
	[tilespmem:$0x8000] =	vst v63  }
0x12b: {  	_ =	swait.ge [sflag:s19], $0x2000  }
0x12c: {  	v4 =	vld [tilespmem:$0x1FD10]  }
0x12d: {  	v13 =	vld [tilespmem:$0x1FD40]  }
0x12e: {  	v22 =	vld [tilespmem:$0x1FD70]  }
0x12f: {  	v5 =	vld [tilespmem:$0x1FDA0]  }
0x130: {  	v14 =	vld [tilespmem:$0x1FDC0]  }
0x131: {  	v18 =	vld [tilespmem:$0x1FDD0]  }
0x132: {  	v3 =	vld [tilespmem:$0x1FDE0]  }
0x133: {  	v58 =	vld [tilespmem:$0x1FDF0]  }
0x134: {  	v10 =	vld [tilespmem:$0x1FE00]  }
0x135: {  	v24 =	vld [tilespmem:$0x1FE10]  }
0x136: {  	v28 =	vld [tilespmem:$0x1FE20]  }
.Ltmp6:
0x137: {  	v29 =	vld [tilespmem:$0x1FE30];
	(pc) =	sbr.rel @p2 .LBB2_8-.Ltmp6, $4  }
0x138: {  	v31 =	vld [tilespmem:$0x1FE40]  }
0x139: {  	v17 =	vld [tilespmem:$0x1FE50]  }
0x13a: {  	[sflag:s19] =	ssyncset.done $0x0;
	v36 =	vld [tilespmem:$0x1FE60]  }
0x13b: {  	v59 =	vld [tilespmem:$0x1FE70];
	[sflag:s19] =	ssyncadd.s32 $0xFFFFE000  }
.LBB2_7:
0x13c: {  	_ =	swait.ge [sflag:s20], $0x2000  }
0x13d: {  	[sflag:s20] =	ssyncset.done $0x0  }
0x13e: {  	[sflag:s20] =	ssyncadd.s32 $0xFFFFE000  }
.LBB2_8:
0x13f: {  	s29 =	simm.s32 $0x0  }
0x140: {  	v0 =	vadd.s32 s29, v44  }
0x141: {  	v1 =	vshll.u32 v0, $0x8;
	v2 =	vshll.u32 v0, $0x7  }
0x142: {  	v1 =	vand.u32 $0x800, v1;
	v2 =	vand.u32 $0x380, v2  }
0x143: {  	v23 =	vor.u32 v2, v1  }
0x144: {  	v2 =	vor.u32 v5, v23;
	v5 =	vld [tilespmem:$0x1FDB0];
	_ =	sdelay $0x4  }
0x145: {  	v1 =	vor.u32 v3, v23;
	v3 =	vor.u32 v5, v23;
	v5 =	vld [tilespmem:$0x1FCB0];
	_ =	sdelay $0x4  }
0x146: {  	v5 =	vor.u32 v5, v23;
	_ =	sdelay $0x2  }
0x147: {  	v6 =	vld [tilespmem:$0x1FD20]  }
0x148: {  	v7 =	vor.u32 v4, v23;
	v4 =	vld.idx.msk [tilespmem:v2+s16+$0x0], $0xffff  }
0x149: {  	v2 =	vor.u32 v47, v23;
	v12 =	vld.idx.msk [tilespmem:v5+s16+$0x0], $0xffff  }
0x14a: {  	v5 =	vld [tilespmem:$0x1FD50];
	_ =	sdelay $0x2  }
0x14b: {  	v6 =	vor.u32 v6, v23  }
0x14c: {  	v20 =	vld.idx.msk [tilespmem:v2+s16+$0x0], $0xffff;
	v2 =	vor.u32 v45, v23  }
0x14d: {  	v5 =	vor.u32 v5, v23;
	_ =	sdelay $0x1  }
0x14e: {  	v9 =	vor.u32 v42, v23;
	v1 =	vld.idx.msk [tilespmem:v1+s16+$0x0], $0xffff  }
0x14f: {  	v11 =	vld.idx.msk [tilespmem:v6+s16+$0x0], $0xffff;
	v6 =	vor.u32 v13, v23  }
0x150: {  	v32 =	vld.idx.msk [tilespmem:v2+s16+$0x0], $0xffff  }
0x151: {  	v13 =	vld.idx.msk [tilespmem:v5+s16+$0x0], $0xffff;
	v5 =	vor.u32 v14, v23  }
0x152: {  	v17 =	vor.u32 v17, v23;
	v2 =	vld [tilespmem:$0x1FD80]  }
0x153: {  	v27 =	vld.idx.msk [tilespmem:v9+s16+$0x0], $0xffff  }
0x154: {  	v14 =	vld.idx.msk [tilespmem:v6+s16+$0x0], $0xffff  }
0x155: {  	v8 =	vor.u32 v41, v23;
	v6 =	vld [tilespmem:$0x1FD30]  }
0x156: {  	v21 =	vor.u32 v46, v23;
	v9 =	vor.u32 v10, v23;
	v10 =	vld.idx.msk [tilespmem:v5+s16+$0x0], $0xffff  }
0x157: {  	v5 =	vor.u32 v2, v23;
	v2 =	vld.idx.msk [tilespmem:v17+s16+$0x0], $0xffff  }
0x158: {  	v17 =	vld [tilespmem:$0x1FD60]  }
0x159: {  	v15 =	vld.idx.msk [tilespmem:v7+s16+$0x0], $0xffff  }
0x15a: {  	v7 =	vor.u32 v44, v23;
	v16 =	vld.idx.msk [tilespmem:v8+s16+$0x0], $0xffff  }
0x15b: {  	v8 =	vor.u32 v18, v23;
	v33 =	vld.idx.msk [tilespmem:v21+s16+$0x0], $0xffff  }
0x15c: {  	v18 =	vor.u32 v58, v23;
	v3 =	vld.idx.msk [tilespmem:v3+s16+$0x0], $0xffff  }
0x15d: {  	v19 =	vor.u32 v6, v23;
	v26 =	vor.u32 v17, v23;
	v17 =	vld [tilespmem:$0x1FD90]  }
0x15e: {  	v6 =	vld.idx.msk [tilespmem:v9+s16+$0x0], $0xffff;
	v9 =	vor.u32 v22, v23  }
0x15f: {  	v30 =	vld.idx.msk [tilespmem:v7+s16+$0x0], $0xffff;
	v22 =	vor.u32 v39, v23  }
0x160: {  	v7 =	vld.idx.msk [tilespmem:v8+s16+$0x0], $0xffff  }
0x161: {  	v8 =	vld.idx.msk [tilespmem:v18+s16+$0x0], $0xffff  }
0x162: {  	v25 =	vld.idx.msk [tilespmem:v19+s16+$0x0], $0xffff;
	v34 =	vor.u32 v17, v23  }
0x163: {  	v18 =	vld.idx.msk [tilespmem:v9+s16+$0x0], $0xffff  }
0x164: {  	v55 =	vmov v24;
	v61 =	vmov v28;
	v24 =	vor.u32 v24, v23;
	v9 =	vld.idx.msk [tilespmem:v22+s16+$0x0], $0xffff  }
0x165: {  	v60 =	vmovc v31;
	v28 =	vor.u32 v28, v23;
	v31 =	vor.u32 v31, v23;
	v54 =	vmov v17;
	v17 =	vld.idx.msk [tilespmem:v5+s16+$0x0], $0xffff  }
0x166: {  	v37 =	vmovc v57;
	v58 =	vmov v29;
	v29 =	vor.u32 v29, v23;
	v19 =	vor.u32 v59, v23;
	v26 =	vld.idx.msk [tilespmem:v26+s16+$0x0], $0xffff  }
0x167: {  	v38 =	vmovc v63;
	s29 =	simm.s32 $0x1;
	v22 =	vor.u32 v36, v23;
	v5 =	vand.u32 $0xF, v0;
	v21 =	vld.idx.msk [tilespmem:v34+s16+$0x0], $0xffff;
	v34 =	vor.u32 v40, v23  }
.LBB2_9:
0x168: {  	_ =	sdelay $0x2  }
0x169: {  	v19 =	vld.idx.msk [tilespmem:v19+s16+$0x0], $0xffff  }
0x16a: {  	v22 =	vld.idx.msk [tilespmem:v22+s16+$0x0], $0xffff  }
0x16b: {  	v23 =	vld.idx.msk [tilespmem:v31+s16+$0x0], $0xffff  }
0x16c: {  	v35 =	vld.idx.msk [tilespmem:v29+s16+$0x0], $0xffff  }
0x16d: {  	v31 =	vor.u32 v43, v5;
	v34 =	vld.idx.msk [tilespmem:v34+s16+$0x0], $0xffff  }
0x16e: {  	v29 =	vor.u32 v37, v5;
	v37 =	vld.idx.msk [tilespmem:v28+s16+$0x0], $0xffff  }
0x16f: {  	v28 =	vld [tilespmem:$0x1FE80]  }
0x170: {  	v36 =	vor.u32 v38, v5;
	v38 =	vld.idx.msk [tilespmem:v24+s16+$0x0], $0xffff  }
0x171: {  	v24 =	vld [tilespmem:$0x1FE90]  }
0x172: {  	[tilespmem:v31+s21+$0x0] =	vst.idx.msk $0xffff, v30;
	v30 =	vld [tilespmem:$0x1FEA0];
	_ =	sdelay $0x2  }
0x173: {  	v28 =	vor.u32 v28, v5  }
0x174: {  	v24 =	vor.u32 v24, v5  }
0x175: {  	v31 =	vld [tilespmem:$0x1FD00];
	v30 =	vor.u32 v30, v5  }
0x176: {  	[tilespmem:v29+s21+$0x0] =	vst.idx.msk $0xffff, v32;
	v29 =	vld [tilespmem:$0x1FEB0]  }
0x177: {  	[tilespmem:v36+s21+$0x0] =	vst.idx.msk $0xffff, v27;
	v27 =	vld [tilespmem:$0x1FEC0]  }
0x178: {  	[tilespmem:v28+s21+$0x0] =	vst.idx.msk $0xffff, v33;
	v28 =	vld [tilespmem:$0x1FED0]  }
0x179: {  	[tilespmem:v24+s21+$0x0] =	vst.idx.msk $0xffff, v20;
	v20 =	vld [tilespmem:$0x1FEE0]  }
0x17a: {  	[tilespmem:v30+s21+$0x0] =	vst.idx.msk $0xffff, v16;
	v16 =	vld [tilespmem:$0x1FEF0]  }
0x17b: {  	v29 =	vor.u32 v29, v5  }
0x17c: {  	v27 =	vor.u32 v27, v5  }
0x17d: {  	v28 =	vor.u32 v28, v5  }
0x17e: {  	v40 =	vor.u32 v31, v0;
	v31 =	vld [tilespmem:$0x1FFE0];
	v20 =	vor.u32 v20, v5  }
0x17f: {  	v24 =	vld [tilespmem:$0x1FFC0];
	v16 =	vor.u32 v16, v5  }
0x180: {  	[tilespmem:v29+s21+$0x0] =	vst.idx.msk $0xffff, v15;
	v15 =	vld [tilespmem:$0x1FF00]  }
0x181: {  	[tilespmem:v27+s21+$0x0] =	vst.idx.msk $0xffff, v12;
	v12 =	vld [tilespmem:$0x1FF10]  }
0x182: {  	[tilespmem:v28+s21+$0x0] =	vst.idx.msk $0xffff, v11;
	v11 =	vld [tilespmem:$0x1FF20]  }
0x183: {  	[tilespmem:v20+s21+$0x0] =	vst.idx.msk $0xffff, v25;
	v20 =	vld [tilespmem:$0x1FF30]  }
0x184: {  	[tilespmem:v16+s21+$0x0] =	vst.idx.msk $0xffff, v14;
	v14 =	vld [tilespmem:$0x1FF40];
	_ =	sdelay $0x2  }
0x185: {  	v32 =	vor.u32 v31, v0;
	v31 =	vld [tilespmem:$0x1FFD0]  }
0x186: {  	v41 =	vor.u32 v24, v0;
	v24 =	vld [tilespmem:$0x1FCE0];
	v15 =	vor.u32 v15, v5;
	v12 =	vor.u32 v12, v5  }
0x187: {  	v11 =	vor.u32 v11, v5;
	v20 =	vor.u32 v20, v5;
	v14 =	vor.u32 v14, v5;
	v5 =	vld [tilespmem:$0x1FF90];
	_ =	sdelay $0x2  }
0x188: {  	v36 =	vor.u32 v31, v0;
	v31 =	vld [tilespmem:$0x1FCF0]  }
0x189: {  	v30 =	vor.u32 v24, v0;
	v24 =	vld [tilespmem:$0x1FCD0]  }
0x18a: {  	v16 =	vor.u32 v5, v0;
	v5 =	vld [tilespmem:$0x1FF50];
	_ =	sdelay $0x1  }
0x18b: {  	s30 =	smov.u32 s29  }
0x18c: {  	v28 =	vadd.s32 s30, v44  }
0x18d: {  	v29 =	vshll.u32 v28, $0x8;
	v42 =	vor.u32 v24, v0;
	v24 =	vld [tilespmem:$0x1FCC0];
	[tilespmem:v15+s21+$0x0] =	vst.idx.msk $0xffff, v13  }
0x18e: {  	v33 =	vor.u32 v31, v0;
	v31 =	vshll.u32 v28, $0x7;
	[tilespmem:v12+s21+$0x0] =	vst.idx.msk $0xffff, v26;
	v13 =	vor.u32 v5, v0;
	v5 =	vld [tilespmem:$0x1FF60]  }
0x18f: {  	v12 =	vand.u32 $0x800, v29;
	v26 =	vand.u32 $0x380, v31;
	[tilespmem:v11+s21+$0x0] =	vst.idx.msk $0xffff, v18;
	v11 =	vld [tilespmem:$0x1FF70]  }
0x190: {  	v43 =	vor.u32 v26, v12;
	v12 =	vld [tilespmem:$0x1FF80];
	_ =	sdelay $0x2  }
0x191: {  	v25 =	vld [tilespmem:$0x1FFA0];
	v15 =	vor.u32 v5, v0  }
0x192: {  	v27 =	vor.u32 v24, v0;
	v24 =	vld [tilespmem:$0x1FFB0];
	v11 =	vor.u32 v11, v0  }
0x193: {  	[tilespmem:v20+s21+$0x0] =	vst.idx.msk $0xffff, v17;
	v12 =	vor.u32 v12, v0  }
0x194: {  	[tilespmem:v14+s21+$0x0] =	vst.idx.msk $0xffff, v21  }
0x195: {  	[tilespmem:v13+s21+$0x0] =	vst.idx.msk $0xffff, v4  }
0x196: {  	v25 =	vor.u32 v25, v0;
	[tilespmem:v15+s21+$0x0] =	vst.idx.msk $0xffff, v3;
	v3 =	vld [tilespmem:$0x1FD30]  }
0x197: {  	v24 =	vor.u32 v24, v0;
	[tilespmem:v11+s21+$0x0] =	vst.idx.msk $0xffff, v10  }
0x198: {  	[tilespmem:v12+s21+$0x0] =	vst.idx.msk $0xffff, v7  }
0x199: {  	[tilespmem:v16+s21+$0x0] =	vst.idx.msk $0xffff, v1;
	v1 =	vld [tilespmem:$0x1FDC0]  }
0x19a: {  	v39 =	vld [tilespmem:$0x1FFF0]  }
0x19b: {  	[tilespmem:v25+s21+$0x0] =	vst.idx.msk $0xffff, v8;
	v26 =	vor.u32 v3, v43;
	v3 =	vld [tilespmem:$0x1FD40]  }
0x19c: {  	v4 =	vld [tilespmem:$0x1FD10];
	[tilespmem:v24+s21+$0x0] =	vst.idx.msk $0xffff, v6  }
0x19d: {  	[tilespmem:v27+s21+$0x0] =	vst.idx.msk $0xffff, v9  }
0x19e: {  	[tilespmem:v42+s21+$0x0] =	vst.idx.msk $0xffff, v38;
	v10 =	vor.u32 v1, v43;
	v1 =	vld [tilespmem:$0x1FDD0]  }
0x19f: {  	v39 =	vor.u32 v39, v0;
	[tilespmem:v30+s21+$0x0] =	vst.idx.msk $0xffff, v37  }
0x1a0: {  	v17 =	vor.u32 v44, v43;
	[tilespmem:v41+s21+$0x0] =	vst.idx.msk $0xffff, v34;
	v44 =	vor.u32 v3, v43;
	v3 =	vld [tilespmem:$0x1FD60]  }
0x1a1: {  	v13 =	vor.u32 v4, v43;
	[tilespmem:v33+s21+$0x0] =	vst.idx.msk $0xffff, v35  }
0x1a2: {  	v4 =	vld [tilespmem:$0x1FCB0];
	[tilespmem:v36+s21+$0x0] =	vst.idx.msk $0xffff, v23  }
0x1a3: {  	[tilespmem:v32+s21+$0x0] =	vst.idx.msk $0xffff, v2;
	v7 =	vor.u32 v1, v43;
	v1 =	vld [tilespmem:$0x1FDF0]  }
0x1a4: {  	v18 =	vor.u32 v45, v43;
	v16 =	vor.u32 v52, v43;
	v2 =	vld [tilespmem:$0x1FE50];
	[tilespmem:v40+s21+$0x0] =	vst.idx.msk $0xffff, v22  }
0x1a5: {  	v6 =	vor.u32 v49, v43;
	[tilespmem:v39+s21+$0x0] =	vst.idx.msk $0xffff, v19;
	v45 =	vor.u32 v3, v43;
	v3 =	vld [tilespmem:$0x1FD70]  }
0x1a6: {  	v15 =	vld.idx.msk [tilespmem:v13+s16+$0x0], $0xffff  }
0x1a7: {  	v13 =	vld [tilespmem:$0x1FD80]  }
0x1a8: {  	v8 =	vor.u32 v1, v43;
	v1 =	vld [tilespmem:$0x1FE00]  }
0x1a9: {  	v16 =	vld.idx.msk [tilespmem:v16+s16+$0x0], $0xffff  }
0x1aa: {  	v21 =	vor.u32 v46, v43;
	v27 =	vld.idx.msk [tilespmem:v6+s16+$0x0], $0xffff  }
0x1ab: {  	v14 =	vor.u32 v47, v43;
	v47 =	vor.u32 v54, v43;
	v30 =	vld.idx.msk [tilespmem:v17+s16+$0x0], $0xffff  }
0x1ac: {  	v32 =	vld.idx.msk [tilespmem:v18+s16+$0x0], $0xffff  }
0x1ad: {  	v25 =	vor.u32 v1, v43;
	v1 =	vld [tilespmem:$0x1FD50]  }
0x1ae: {  	v10 =	vld.idx.msk [tilespmem:v10+s16+$0x0], $0xffff  }
0x1af: {  	v33 =	vld.idx.msk [tilespmem:v21+s16+$0x0], $0xffff;
	v2 =	vor.u32 v2, v43  }
0x1b0: {  	v21 =	vld.idx.msk [tilespmem:v47+s16+$0x0], $0xffff  }
0x1b1: {  	v7 =	vld.idx.msk [tilespmem:v7+s16+$0x0], $0xffff;
	v46 =	vor.u32 v3, v43  }
0x1b2: {  	v9 =	vor.u32 v1, v43;
	v1 =	vld [tilespmem:$0x1FD20]  }
0x1b3: {  	v3 =	vld [tilespmem:$0x1FDA0];
	v22 =	vor.u32 v13, v43  }
0x1b4: {  	v2 =	vld.idx.msk [tilespmem:v2+s16+$0x0], $0xffff  }
0x1b5: {  	v8 =	vld.idx.msk [tilespmem:v8+s16+$0x0], $0xffff  }
0x1b6: {  	v18 =	vld.idx.msk [tilespmem:v46+s16+$0x0], $0xffff  }
0x1b7: {  	v11 =	vor.u32 v1, v43;
	v1 =	vld [tilespmem:$0x1FDB0]  }
0x1b8: {  	v17 =	vld.idx.msk [tilespmem:v22+s16+$0x0], $0xffff  }
0x1b9: {  	v6 =	vld.idx.msk [tilespmem:v25+s16+$0x0], $0xffff  }
0x1ba: {  	v3 =	vor.u32 v3, v43;
	v13 =	vld.idx.msk [tilespmem:v9+s16+$0x0], $0xffff  }
0x1bb: {  	v9 =	vld [tilespmem:$0x1FE60]  }
0x1bc: {  	v23 =	vor.u32 v56, v43;
	v12 =	vor.u32 v1, v43;
	v1 =	vld [tilespmem:$0x1FDE0]  }
0x1bd: {  	v25 =	vld.idx.msk [tilespmem:v26+s16+$0x0], $0xffff  }
0x1be: {  	v20 =	vor.u32 v4, v43;
	v26 =	vld.idx.msk [tilespmem:v45+s16+$0x0], $0xffff  }
0x1bf: {  	v4 =	vld.idx.msk [tilespmem:v3+s16+$0x0], $0xffff  }
0x1c0: {  	v11 =	vld.idx.msk [tilespmem:v11+s16+$0x0], $0xffff  }
0x1c1: {  	p2 =	sne.s32 s29, $0xF;
	v22 =	vor.u32 v9, v43;
	v9 =	vld.idx.msk [tilespmem:v23+s16+$0x0], $0xffff;
	v1 =	vor.u32 v1, v43  }
.Ltmp7:
0x1c2: {  	v3 =	vld.idx.msk [tilespmem:v12+s16+$0x0], $0xffff;
	(pc) =	sbr.rel @p2 .LBB2_9-.Ltmp7, $4  }
0x1c3: {  	v29 =	vor.u32 v58, v43;
	v31 =	vor.u32 v60, v43;
	v12 =	vld.idx.msk [tilespmem:v20+s16+$0x0], $0xffff  }
0x1c4: {  	v5 =	vand.u32 $0xF, v28;
	v0 =	vmovc v28;
	v28 =	vor.u32 v61, v43;
	v24 =	vor.u32 v55, v43;
	v20 =	vld.idx.msk [tilespmem:v14+s16+$0x0], $0xffff  }
0x1c5: {  	v38 =	vmovc v63;
	v37 =	vmov v57;
	v34 =	vor.u32 v62, v43;
	v19 =	vor.u32 v59, v43;
	v14 =	vld.idx.msk [tilespmem:v44+s16+$0x0], $0xffff  }
0x1c6: {  	s29 =	sadd.s32 $0x1, s29;
	v47 =	vmovc v51;
	v46 =	vmovc v50;
	v45 =	vmov v48;
	v44 =	vlaneseq.u32;
	v43 =	vmov v53;
	v1 =	vld.idx.msk [tilespmem:v1+s16+$0x0], $0xffff  }
0x1c7: {  	_ =	sdelay $0x3  }
0x1c8: {  	v19 =	vld.idx.msk [tilespmem:v19+s16+$0x0], $0xffff  }
0x1c9: {  	v22 =	vld.idx.msk [tilespmem:v22+s16+$0x0], $0xffff  }
0x1ca: {  	v23 =	vld.idx.msk [tilespmem:v31+s16+$0x0], $0xffff  }
0x1cb: {  	v54 =	vld [tilespmem:$0x1FE80]  }
0x1cc: {  	v55 =	vld [tilespmem:$0x1FE90]  }
0x1cd: {  	v31 =	vor.u32 v43, v5;
	v61 =	vld [tilespmem:$0x1FEA0]  }
0x1ce: {  	v29 =	vld.idx.msk [tilespmem:v29+s16+$0x0], $0xffff;
	v35 =	vor.u32 v37, v5  }
0x1cf: {  	v34 =	vld.idx.msk [tilespmem:v34+s16+$0x0], $0xffff;
	v36 =	vor.u32 v38, v5  }
0x1d0: {  	v28 =	vld.idx.msk [tilespmem:v28+s16+$0x0], $0xffff;
	v59 =	vor.u32 v54, v5  }
0x1d1: {  	[tilespmem:$0x1FCA0] =	vst v19;
	v60 =	vor.u32 v55, v5;
	v19 =	vld [tilespmem:$0x1FEB0]  }
0x1d2: {  	v24 =	vld.idx.msk [tilespmem:v24+s16+$0x0], $0xffff;
	[tilespmem:v31+s21+$0x0] =	vst.idx.msk $0xffff, v30;
	v30 =	vor.u32 v61, v5  }
0x1d3: {  	[tilespmem:v35+s21+$0x0] =	vst.idx.msk $0xffff, v32  }
0x1d4: {  	v54 =	vld [tilespmem:$0x1FEC0];
	[tilespmem:v36+s21+$0x0] =	vst.idx.msk $0xffff, v27  }
0x1d5: {  	[tilespmem:v59+s21+$0x0] =	vst.idx.msk $0xffff, v33;
	v33 =	vld [tilespmem:$0x1FED0]  }
0x1d6: {  	v58 =	vld [tilespmem:$0x1FEE0];
	v31 =	vor.u32 v19, v5;
	[tilespmem:v60+s21+$0x0] =	vst.idx.msk $0xffff, v20  }
0x1d7: {  	[tilespmem:v30+s21+$0x0] =	vst.idx.msk $0xffff, v16;
	v30 =	vld [tilespmem:$0x1FEF0];
	_ =	sdelay $0x1  }
0x1d8: {  	v55 =	vor.u32 v54, v5  }
0x1d9: {  	v32 =	vor.u32 v33, v5  }
0x1da: {  	v59 =	vor.u32 v58, v5;
	[tilespmem:v31+s21+$0x0] =	vst.idx.msk $0xffff, v15;
	v31 =	vld [tilespmem:$0x1FF00]  }
0x1db: {  	v60 =	vor.u32 v30, v5;
	_ =	sdelay $0x1  }
0x1dc: {  	v54 =	vld [tilespmem:$0x1FF10];
	[tilespmem:v55+s21+$0x0] =	vst.idx.msk $0xffff, v12  }
0x1dd: {  	v27 =	vld [tilespmem:$0x1FF20];
	[tilespmem:v32+s21+$0x0] =	vst.idx.msk $0xffff, v11  }
0x1de: {  	v61 =	vor.u32 v31, v5;
	[tilespmem:v59+s21+$0x0] =	vst.idx.msk $0xffff, v25  }
0x1df: {  	[tilespmem:v60+s21+$0x0] =	vst.idx.msk $0xffff, v14;
	v60 =	vld [tilespmem:$0x1FF50]  }
0x1e0: {  	v35 =	vld [tilespmem:$0x1FF30]  }
0x1e1: {  	v55 =	vor.u32 v54, v5;
	v59 =	vld [tilespmem:$0x1FF40]  }
0x1e2: {  	v32 =	vor.u32 v27, v5  }
0x1e3: {  	[tilespmem:v61+s21+$0x0] =	vst.idx.msk $0xffff, v13;
	v61 =	vld [tilespmem:$0x1FF60]  }
0x1e4: {  	v54 =	vor.u32 v60, v0;
	v60 =	vld [tilespmem:$0x1FF70]  }
0x1e5: {  	v37 =	vor.u32 v35, v5;
	v14 =	vld [tilespmem:$0x1FF80]  }
0x1e6: {  	v58 =	vld [tilespmem:$0x1FF90];
	v38 =	vor.u32 v59, v5;
	[tilespmem:v55+s21+$0x0] =	vst.idx.msk $0xffff, v26  }
0x1e7: {  	[tilespmem:v32+s21+$0x0] =	vst.idx.msk $0xffff, v18;
	v18 =	vld [tilespmem:$0x1FFA0]  }
0x1e8: {  	v20 =	vld [tilespmem:$0x1FFB0];
	v55 =	vor.u32 v61, v0  }
0x1e9: {  	v25 =	vld [tilespmem:$0x1FCC0];
	v61 =	vor.u32 v60, v0  }
0x1ea: {  	v26 =	vld [tilespmem:$0x1FCD0];
	v16 =	vor.u32 v14, v0;
	[tilespmem:v37+s21+$0x0] =	vst.idx.msk $0xffff, v17  }
0x1eb: {  	v27 =	vld [tilespmem:$0x1FCE0];
	v17 =	vor.u32 v58, v0;
	[tilespmem:v38+s21+$0x0] =	vst.idx.msk $0xffff, v21  }
0x1ec: {  	v32 =	vld [tilespmem:$0x1FFC0];
	[tilespmem:v54+s21+$0x0] =	vst.idx.msk $0xffff, v4;
	v19 =	vor.u32 v18, v0  }
0x1ed: {  	v36 =	vld [tilespmem:$0x1FCF0];
	v21 =	vor.u32 v20, v0;
	[tilespmem:v55+s21+$0x0] =	vst.idx.msk $0xffff, v3  }
0x1ee: {  	v37 =	vld [tilespmem:$0x1FFD0];
	[tilespmem:v61+s21+$0x0] =	vst.idx.msk $0xffff, v10;
	v10 =	vor.u32 v25, v0  }
0x1ef: {  	v54 =	vld [tilespmem:$0x1FFE0];
	[tilespmem:v16+s21+$0x0] =	vst.idx.msk $0xffff, v7;
	v7 =	vor.u32 v26, v0  }
0x1f0: {  	v58 =	vld [tilespmem:$0x1FD00];
	[tilespmem:v17+s21+$0x0] =	vst.idx.msk $0xffff, v1;
	v1 =	vor.u32 v27, v0  }
0x1f1: {  	v59 =	vld [tilespmem:$0x1FFF0];
	v35 =	vor.u32 v32, v0;
	[tilespmem:v19+s21+$0x0] =	vst.idx.msk $0xffff, v8  }
0x1f2: {  	v3 =	vor.u32 v36, v0;
	[tilespmem:v21+s21+$0x0] =	vst.idx.msk $0xffff, v6  }
0x1f3: {  	v38 =	vor.u32 v37, v0;
	[tilespmem:v10+s21+$0x0] =	vst.idx.msk $0xffff, v9  }
0x1f4: {  	v55 =	vor.u32 v54, v0;
	[tilespmem:v7+s21+$0x0] =	vst.idx.msk $0xffff, v24  }
0x1f5: {  	[tilespmem:v1+s21+$0x0] =	vst.idx.msk $0xffff, v28;
	v1 =	vor.u32 v58, v0  }
0x1f6: {  	v60 =	vor.u32 v59, v0;
	v61 =	vld [tilespmem:$0x1FCA0];
	[tilespmem:v35+s21+$0x0] =	vst.idx.msk $0xffff, v34  }
0x1f7: {  	p2 =	seq.s32 s25, $0x3C;
	[tilespmem:v3+s21+$0x0] =	vst.idx.msk $0xffff, v29  }
.Ltmp8:
0x1f8: {  	[tilespmem:v38+s21+$0x0] =	vst.idx.msk $0xffff, v23;
	(pc) =	sbr.rel @p2 .LBB2_12-.Ltmp8, $4  }
0x1f9: {  	[tilespmem:v55+s21+$0x0] =	vst.idx.msk $0xffff, v2  }
0x1fa: {  	s28 =	sor.u32 s13, s28;
	[tilespmem:v1+s21+$0x0] =	vst.idx.msk $0xffff, v22  }
0x1fb: {  	s28 =	sadd.s32 s1, s28;
	[tilespmem:v60+s21+$0x0] =	vst.idx.msk $0xffff, v61  }
0x1fc: {  	v42 =	vmovc v49;
	v41 =	vmov v52;
	v40 =	vmov v62;
	v39 =	vmov v56;
	[hbm4b:s28+s3] =	stream.linear.scatter [tilespmem:s21], [sflag:$0x4], $0x2000, $0x38;
	[tilespmem:$0x8000] =	vst v63  }
0x1fd: {  	v9 =	vld [tilespmem:$0x1FD10]  }
0x1fe: {  	v60 =	vld [tilespmem:$0x1FD40]  }
0x1ff: {  	v61 =	vld [tilespmem:$0x1FD50]  }
0x200: {  	v59 =	vld [tilespmem:$0x1FD70]  }
0x201: {  	v48 =	vld [tilespmem:$0x1FD80]  }
0x202: {  	v12 =	vld [tilespmem:$0x1FDA0]  }
0x203: {  	v49 =	vld [tilespmem:$0x1FDB0]  }
0x204: {  	v22 =	vld [tilespmem:$0x1FDC0]  }
0x205: {  	v10 =	vld [tilespmem:$0x1FDD0]  }
0x206: {  	v3 =	vld [tilespmem:$0x1FDE0]  }
0x207: {  	v18 =	vld [tilespmem:$0x1FDF0]  }
0x208: {  	v13 =	vld [tilespmem:$0x1FE00]  }
0x209: {  	v53 =	vld [tilespmem:$0x1FE10]  }
0x20a: {  	v28 =	vld [tilespmem:$0x1FE20]  }
.Ltmp9:
0x20b: {  	v29 =	vld [tilespmem:$0x1FE30];
	(pc) =	sbr.rel .LBB2_2-.Ltmp9, $4  }
0x20c: {  	v31 =	vld [tilespmem:$0x1FE40]  }
0x20d: {  	v17 =	vld [tilespmem:$0x1FE50]  }
0x20e: {  	s26 =	sadd.s32 s26, s8;
	s25 =	sadd.s32 $0x1, s25;
	v35 =	vld [tilespmem:$0x1FE60]  }
0x20f: {  	v36 =	vld [tilespmem:$0x1FE70];
	v37 =	vmov v57;
	v38 =	vmov v63;
	[tilespmem:s16], [sflag:$0x2] =	stream.strided.gather [hbm4b:s26+s14], $0x2000, s15, s14, $0x38  }
.LBB2_13:
0x210: {  	s25 =	simm.s32 $0x0  }
0x211: {  	v0 =	vadd.s32 s25, v44  }
0x212: {  	v12 =	vmov v1;
	v1 =	vshll.u32 v0, $0x8;
	v2 =	vshll.u32 v0, $0x7  }
0x213: {  	v1 =	vand.u32 $0x800, v1;
	v2 =	vand.u32 $0x380, v2  }
0x214: {  	v37 =	vor.u32 v2, v1  }
0x215: {  	v1 =	vor.u32 v3, v37  }
0x216: {  	[tilespmem:s25], [sflag:$0x5] =	stream.strided.gather [hbm4b:s9+s14], $0x2000, s15, s14, $0x38;
	v7 =	vor.u32 v9, v37;
	[tilespmem:$0x8000] =	vst v63  }
0x217: {  	v2 =	vld [tilespmem:$0x1FDA0];
	_ =	swait.ge [sflag:s23], $0x2000;
	v8 =	vor.u32 v41, v37  }
0x218: {  	v3 =	vld [tilespmem:$0x1FDB0];
	[sflag:s23] =	ssyncset.done $0x0;
	v14 =	vor.u32 v47, v37  }
0x219: {  	v38 =	vmov v60;
	v4 =	vld [tilespmem:$0x1FCB0];
	v9 =	vor.u32 v42, v37;
	[sflag:s23] =	ssyncadd.s32 $0xFFFFE000  }
0x21a: {  	v6 =	vor.u32 v38, v37;
	v1 =	vld.idx.msk [tilespmem:v1+s3+$0x0], $0xffff  }
0x21b: {  	v15 =	vld.idx.msk [tilespmem:v7+s3+$0x0], $0xffff  }
0x21c: {  	v21 =	vor.u32 v46, v37;
	v16 =	vld.idx.msk [tilespmem:v8+s3+$0x0], $0xffff  }
0x21d: {  	v20 =	vld.idx.msk [tilespmem:v14+s3+$0x0], $0xffff  }
0x21e: {  	v55 =	vor.u32 v2, v37;
	v27 =	vld.idx.msk [tilespmem:v9+s3+$0x0], $0xffff  }
0x21f: {  	v14 =	vld.idx.msk [tilespmem:v6+s3+$0x0], $0xffff  }
0x220: {  	v3 =	vor.u32 v3, v37;
	v58 =	vor.u32 v4, v37;
	v4 =	vor.u32 v12, v37;
	v6 =	vld [tilespmem:$0x1FD30]  }
0x221: {  	v2 =	vmov v61;
	v61 =	vmov v33;
	v33 =	vld.idx.msk [tilespmem:v21+s3+$0x0], $0xffff;
	[tilespmem:$0x1FC90] =	vst v4  }
0x222: {  	v5 =	vor.u32 v2, v37;
	v2 =	vld [tilespmem:$0x1FC90]  }
0x223: {  	v7 =	vor.u32 v44, v37;
	v4 =	vld.idx.msk [tilespmem:v55+s3+$0x0], $0xffff  }
0x224: {  	v8 =	vor.u32 v10, v37;
	v55 =	vld [tilespmem:$0x1FD90]  }
0x225: {  	v9 =	vor.u32 v13, v37;
	v3 =	vld.idx.msk [tilespmem:v3+s3+$0x0], $0xffff  }
0x226: {  	v12 =	vld.idx.msk [tilespmem:v58+s3+$0x0], $0xffff  }
0x227: {  	v18 =	vor.u32 v18, v37;
	v13 =	vld.idx.msk [tilespmem:v5+s3+$0x0], $0xffff  }
0x228: {  	v60 =	vmov v30;
	v30 =	vld.idx.msk [tilespmem:v7+s3+$0x0], $0xffff  }
0x229: {  	v7 =	vld.idx.msk [tilespmem:v8+s3+$0x0], $0xffff  }
0x22a: {  	v5 =	vor.u32 v22, v37;
	v19 =	vor.u32 v6, v37;
	v6 =	vld.idx.msk [tilespmem:v9+s3+$0x0], $0xffff  }
0x22b: {  	v9 =	vor.u32 v59, v37;
	v59 =	vld [tilespmem:$0x1FD80]  }
0x22c: {  	v8 =	vld.idx.msk [tilespmem:v18+s3+$0x0], $0xffff  }
0x22d: {  	v58 =	vld [tilespmem:$0x1FD60]  }
0x22e: {  	v34 =	vor.u32 v55, v37;
	v11 =	vld.idx.msk [tilespmem:v2+s3+$0x0], $0xffff  }
0x22f: {  	v2 =	vor.u32 v45, v37;
	v10 =	vld.idx.msk [tilespmem:v5+s3+$0x0], $0xffff  }
0x230: {  	v54 =	vmov v25;
	v17 =	vor.u32 v17, v37;
	v25 =	vld.idx.msk [tilespmem:v19+s3+$0x0], $0xffff  }
0x231: {  	v5 =	vor.u32 v59, v37;
	v18 =	vld.idx.msk [tilespmem:v9+s3+$0x0], $0xffff  }
0x232: {  	v22 =	vor.u32 v39, v37;
	v9 =	vld [tilespmem:$0x1FE10]  }
0x233: {  	v26 =	vor.u32 v58, v37;
	v21 =	vld.idx.msk [tilespmem:v34+s3+$0x0], $0xffff  }
0x234: {  	v29 =	vor.u32 v29, v37;
	v32 =	vld.idx.msk [tilespmem:v2+s3+$0x0], $0xffff  }
0x235: {  	v28 =	vor.u32 v28, v37;
	v2 =	vld.idx.msk [tilespmem:v17+s3+$0x0], $0xffff  }
0x236: {  	v31 =	vor.u32 v31, v37;
	v17 =	vld.idx.msk [tilespmem:v5+s3+$0x0], $0xffff  }
0x237: {  	v38 =	vmov v63;
	v19 =	vor.u32 v36, v37;
	v24 =	vor.u32 v9, v37;
	v9 =	vld.idx.msk [tilespmem:v22+s3+$0x0], $0xffff  }
0x238: {  	s25 =	simm.s32 $0x1;
	v34 =	vor.u32 v40, v37;
	v5 =	vand.u32 $0xF, v0;
	v26 =	vld.idx.msk [tilespmem:v26+s3+$0x0], $0xffff;
	v22 =	vor.u32 v35, v37;
	v37 =	vmovc v57  }
.LBB2_14:
0x239: {  	v35 =	vld.idx.msk [tilespmem:v29+s3+$0x0], $0xffff  }
0x23a: {  	v29 =	vor.u32 v37, v5;
	v37 =	vld.idx.msk [tilespmem:v28+s3+$0x0], $0xffff  }
0x23b: {  	v28 =	vld [tilespmem:$0x1FE80]  }
0x23c: {  	v36 =	vor.u32 v38, v5;
	v38 =	vld.idx.msk [tilespmem:v24+s3+$0x0], $0xffff  }
0x23d: {  	v24 =	vld [tilespmem:$0x1FE90]  }
0x23e: {  	v23 =	vld.idx.msk [tilespmem:v31+s3+$0x0], $0xffff;
	v31 =	vor.u32 v43, v5;
	_ =	sdelay $0x1  }
0x23f: {  	v19 =	vld.idx.msk [tilespmem:v19+s3+$0x0], $0xffff  }
0x240: {  	v22 =	vld.idx.msk [tilespmem:v22+s3+$0x0], $0xffff;
	v28 =	vor.u32 v28, v5  }
0x241: {  	v34 =	vld.idx.msk [tilespmem:v34+s3+$0x0], $0xffff;
	v24 =	vor.u32 v24, v5  }
0x242: {  	[tilespmem:v31+s18+$0x0] =	vst.idx.msk $0xffff, v30;
	v30 =	vld [tilespmem:$0x1FEA0]  }
0x243: {  	[tilespmem:v29+s18+$0x0] =	vst.idx.msk $0xffff, v32;
	v29 =	vld [tilespmem:$0x1FEB0]  }
0x244: {  	[tilespmem:v36+s18+$0x0] =	vst.idx.msk $0xffff, v27;
	v27 =	vld [tilespmem:$0x1FEC0]  }
0x245: {  	[tilespmem:v28+s18+$0x0] =	vst.idx.msk $0xffff, v33  }
0x246: {  	[tilespmem:v24+s18+$0x0] =	vst.idx.msk $0xffff, v20;
	v20 =	vld [tilespmem:$0x1FEE0]  }
0x247: {  	v30 =	vor.u32 v30, v5  }
0x248: {  	v31 =	vld [tilespmem:$0x1FD00];
	v29 =	vor.u32 v29, v5  }
0x249: {  	v27 =	vor.u32 v27, v5  }
0x24a: {  	v28 =	vor.u32 v61, v5  }
0x24b: {  	v20 =	vor.u32 v20, v5  }
0x24c: {  	[tilespmem:v30+s18+$0x0] =	vst.idx.msk $0xffff, v16;
	v16 =	vor.u32 v60, v5  }
0x24d: {  	v40 =	vor.u32 v31, v0;
	v31 =	vld [tilespmem:$0x1FFE0];
	[tilespmem:v29+s18+$0x0] =	vst.idx.msk $0xffff, v15  }
0x24e: {  	[tilespmem:v27+s18+$0x0] =	vst.idx.msk $0xffff, v12;
	v12 =	vld [tilespmem:$0x1FF10]  }
0x24f: {  	[tilespmem:v28+s18+$0x0] =	vst.idx.msk $0xffff, v11;
	v11 =	vld [tilespmem:$0x1FF20]  }
0x250: {  	[tilespmem:v20+s18+$0x0] =	vst.idx.msk $0xffff, v25;
	v20 =	vld [tilespmem:$0x1FF30]  }
0x251: {  	[tilespmem:v16+s18+$0x0] =	vst.idx.msk $0xffff, v14;
	v14 =	vld [tilespmem:$0x1FF40];
	_ =	sdelay $0x3  }
0x252: {  	v32 =	vor.u32 v31, v0;
	v31 =	vld [tilespmem:$0x1FFD0];
	v15 =	vor.u32 v54, v5;
	v12 =	vor.u32 v12, v5  }
0x253: {  	v11 =	vor.u32 v11, v5;
	v20 =	vor.u32 v20, v5;
	v14 =	vor.u32 v14, v5;
	v5 =	vld [tilespmem:$0x1FF90];
	_ =	sdelay $0x3  }
0x254: {  	v36 =	vor.u32 v31, v0;
	v31 =	vld [tilespmem:$0x1FCF0]  }
0x255: {  	v16 =	vor.u32 v5, v0;
	v5 =	vld [tilespmem:$0x1FF50];
	_ =	sdelay $0x1  }
0x256: {  	s26 =	smov.u32 s25  }
0x257: {  	v28 =	vadd.s32 s26, v44  }
0x258: {  	v29 =	vshll.u32 v28, $0x8;
	[tilespmem:v15+s18+$0x0] =	vst.idx.msk $0xffff, v13  }
0x259: {  	v33 =	vor.u32 v31, v0;
	v31 =	vshll.u32 v28, $0x7;
	[tilespmem:v12+s18+$0x0] =	vst.idx.msk $0xffff, v26;
	v13 =	vor.u32 v5, v0;
	v5 =	vld [tilespmem:$0x1FF60]  }
0x25a: {  	v12 =	vand.u32 $0x800, v29;
	v26 =	vand.u32 $0x380, v31;
	[tilespmem:v11+s18+$0x0] =	vst.idx.msk $0xffff, v18;
	v11 =	vld [tilespmem:$0x1FF70]  }
0x25b: {  	v43 =	vor.u32 v26, v12;
	v12 =	vld [tilespmem:$0x1FF80];
	_ =	sdelay $0x2  }
0x25c: {  	v15 =	vor.u32 v5, v0  }
0x25d: {  	v24 =	vld [tilespmem:$0x1FFC0];
	v11 =	vor.u32 v11, v0  }
0x25e: {  	[tilespmem:v20+s18+$0x0] =	vst.idx.msk $0xffff, v17;
	v12 =	vor.u32 v12, v0  }
0x25f: {  	[tilespmem:v14+s18+$0x0] =	vst.idx.msk $0xffff, v21  }
0x260: {  	[tilespmem:v13+s18+$0x0] =	vst.idx.msk $0xffff, v4  }
0x261: {  	[tilespmem:v15+s18+$0x0] =	vst.idx.msk $0xffff, v3  }
0x262: {  	v41 =	vor.u32 v24, v0;
	v24 =	vld [tilespmem:$0x1FCE0];
	[tilespmem:v11+s18+$0x0] =	vst.idx.msk $0xffff, v10  }
0x263: {  	[tilespmem:v12+s18+$0x0] =	vst.idx.msk $0xffff, v7  }
0x264: {  	[tilespmem:v16+s18+$0x0] =	vst.idx.msk $0xffff, v1;
	v1 =	vld [tilespmem:$0x1FDC0];
	_ =	sdelay $0x2  }
0x265: {  	v30 =	vor.u32 v24, v0;
	v24 =	vld [tilespmem:$0x1FCD0]  }
0x266: {  	v25 =	vld [tilespmem:$0x1FFA0]  }
0x267: {  	v10 =	vor.u32 v1, v43;
	v1 =	vld [tilespmem:$0x1FDD0];
	_ =	sdelay $0x3  }
0x268: {  	v42 =	vor.u32 v24, v0;
	v24 =	vld [tilespmem:$0x1FCC0]  }
0x269: {  	v25 =	vor.u32 v25, v0;
	v7 =	vor.u32 v1, v43;
	v1 =	vld [tilespmem:$0x1FDF0];
	_ =	sdelay $0x3  }
0x26a: {  	v27 =	vor.u32 v24, v0;
	v24 =	vld [tilespmem:$0x1FFB0]  }
0x26b: {  	[tilespmem:v25+s18+$0x0] =	vst.idx.msk $0xffff, v8;
	v8 =	vor.u32 v1, v43;
	v1 =	vld [tilespmem:$0x1FE00];
	_ =	sdelay $0x2  }
0x26c: {  	v3 =	vld [tilespmem:$0x1FD30]  }
0x26d: {  	v24 =	vor.u32 v24, v0  }
0x26e: {  	v25 =	vor.u32 v1, v43;
	v1 =	vld [tilespmem:$0x1FE10];
	_ =	sdelay $0x1  }
0x26f: {  	v39 =	vld [tilespmem:$0x1FFF0]  }
0x270: {  	v26 =	vor.u32 v3, v43;
	v3 =	vld [tilespmem:$0x1FD40]  }
0x271: {  	v4 =	vld [tilespmem:$0x1FD10];
	[tilespmem:v24+s18+$0x0] =	vst.idx.msk $0xffff, v6  }
0x272: {  	[tilespmem:v27+s18+$0x0] =	vst.idx.msk $0xffff, v9;
	v24 =	vor.u32 v1, v43;
	v1 =	vld [tilespmem:$0x1FE20]  }
0x273: {  	[tilespmem:v42+s18+$0x0] =	vst.idx.msk $0xffff, v38  }
0x274: {  	v39 =	vor.u32 v39, v0;
	[tilespmem:v30+s18+$0x0] =	vst.idx.msk $0xffff, v37  }
0x275: {  	v17 =	vor.u32 v44, v43;
	[tilespmem:v41+s18+$0x0] =	vst.idx.msk $0xffff, v34;
	v44 =	vor.u32 v3, v43;
	v3 =	vld [tilespmem:$0x1FD70]  }
0x276: {  	v13 =	vor.u32 v4, v43;
	[tilespmem:v33+s18+$0x0] =	vst.idx.msk $0xffff, v35  }
0x277: {  	v5 =	vand.u32 $0xF, v28;
	v0 =	vmov v28;
	[tilespmem:v36+s18+$0x0] =	vst.idx.msk $0xffff, v23;
	v28 =	vor.u32 v1, v43;
	v1 =	vld [tilespmem:$0x1FE30]  }
0x278: {  	v4 =	vld [tilespmem:$0x1FCB0];
	v16 =	vor.u32 v52, v43;
	[tilespmem:v32+s18+$0x0] =	vst.idx.msk $0xffff, v2  }
0x279: {  	v6 =	vor.u32 v49, v43;
	v2 =	vld [tilespmem:$0x1FE50];
	[tilespmem:v40+s18+$0x0] =	vst.idx.msk $0xffff, v22  }
0x27a: {  	v21 =	vor.u32 v46, v43;
	[tilespmem:v39+s18+$0x0] =	vst.idx.msk $0xffff, v19;
	v46 =	vor.u32 v3, v43;
	v3 =	vld [tilespmem:$0x1FDA0]  }
0x27b: {  	v18 =	vor.u32 v45, v43;
	v15 =	vld.idx.msk [tilespmem:v13+s3+$0x0], $0xffff  }
0x27c: {  	v29 =	vor.u32 v1, v43;
	v1 =	vld [tilespmem:$0x1FE40]  }
0x27d: {  	v16 =	vld.idx.msk [tilespmem:v16+s3+$0x0], $0xffff  }
0x27e: {  	v27 =	vld.idx.msk [tilespmem:v6+s3+$0x0], $0xffff  }
0x27f: {  	v14 =	vor.u32 v47, v43;
	v47 =	vor.u32 v55, v43;
	v30 =	vld.idx.msk [tilespmem:v17+s3+$0x0], $0xffff  }
0x280: {  	v32 =	vld.idx.msk [tilespmem:v18+s3+$0x0], $0xffff  }
0x281: {  	v31 =	vor.u32 v1, v43;
	v1 =	vld [tilespmem:$0x1FD50]  }
0x282: {  	v22 =	vor.u32 v59, v43;
	v10 =	vld.idx.msk [tilespmem:v10+s3+$0x0], $0xffff  }
0x283: {  	v33 =	vld.idx.msk [tilespmem:v21+s3+$0x0], $0xffff  }
0x284: {  	v21 =	vld.idx.msk [tilespmem:v47+s3+$0x0], $0xffff;
	v2 =	vor.u32 v2, v43  }
0x285: {  	v7 =	vld.idx.msk [tilespmem:v7+s3+$0x0], $0xffff  }
0x286: {  	v9 =	vor.u32 v1, v43;
	v1 =	vld [tilespmem:$0x1FD20]  }
0x287: {  	v17 =	vld.idx.msk [tilespmem:v22+s3+$0x0], $0xffff;
	v3 =	vor.u32 v3, v43  }
0x288: {  	v18 =	vld.idx.msk [tilespmem:v46+s3+$0x0], $0xffff  }
0x289: {  	v2 =	vld.idx.msk [tilespmem:v2+s3+$0x0], $0xffff  }
0x28a: {  	v8 =	vld.idx.msk [tilespmem:v8+s3+$0x0], $0xffff  }
0x28b: {  	v11 =	vor.u32 v1, v43;
	v1 =	vld [tilespmem:$0x1FDB0]  }
0x28c: {  	v20 =	vor.u32 v4, v43;
	v4 =	vld.idx.msk [tilespmem:v3+s3+$0x0], $0xffff  }
0x28d: {  	v45 =	vor.u32 v58, v43;
	v6 =	vld.idx.msk [tilespmem:v25+s3+$0x0], $0xffff  }
0x28e: {  	v13 =	vld.idx.msk [tilespmem:v9+s3+$0x0], $0xffff  }
0x28f: {  	v9 =	vld [tilespmem:$0x1FE70]  }
0x290: {  	v12 =	vor.u32 v1, v43;
	v1 =	vld [tilespmem:$0x1FDE0]  }
0x291: {  	v25 =	vld.idx.msk [tilespmem:v26+s3+$0x0], $0xffff  }
0x292: {  	v26 =	vld.idx.msk [tilespmem:v45+s3+$0x0], $0xffff  }
0x293: {  	v11 =	vld.idx.msk [tilespmem:v11+s3+$0x0], $0xffff  }
0x294: {  	v23 =	vor.u32 v56, v43;
	v19 =	vor.u32 v9, v43;
	v9 =	vld [tilespmem:$0x1FE60]  }
0x295: {  	p2 =	sne.s32 s25, $0xF;
	v1 =	vor.u32 v1, v43;
	v3 =	vld.idx.msk [tilespmem:v12+s3+$0x0], $0xffff  }
.Ltmp10:
0x296: {  	v12 =	vld.idx.msk [tilespmem:v20+s3+$0x0], $0xffff;
	(pc) =	sbr.rel @p2 .LBB2_14-.Ltmp10, $4  }
0x297: {  	v20 =	vld.idx.msk [tilespmem:v14+s3+$0x0], $0xffff  }
0x298: {  	v14 =	vld.idx.msk [tilespmem:v44+s3+$0x0], $0xffff  }
0x299: {  	v38 =	vmovc v63;
	v37 =	vmov v57;
	v34 =	vor.u32 v62, v43;
	v22 =	vor.u32 v9, v43;
	v9 =	vld.idx.msk [tilespmem:v23+s3+$0x0], $0xffff  }
0x29a: {  	s25 =	sadd.s32 $0x1, s25;
	v47 =	vmovc v51;
	v46 =	vmovc v50;
	v45 =	vmov v48;
	v44 =	vlaneseq.u32;
	v43 =	vmov v53;
	v1 =	vld.idx.msk [tilespmem:v1+s3+$0x0], $0xffff  }
0x29b: {  	_ =	sdelay $0x3  }
0x29c: {  	v19 =	vld.idx.msk [tilespmem:v19+s3+$0x0], $0xffff;
	_ =	sdelay $0x1  }
0x29d: {  	v22 =	vld.idx.msk [tilespmem:v22+s3+$0x0], $0xffff  }
0x29e: {  	v23 =	vld.idx.msk [tilespmem:v31+s3+$0x0], $0xffff  }
0x29f: {  	v29 =	vld.idx.msk [tilespmem:v29+s3+$0x0], $0xffff  }
0x2a0: {  	[tilespmem:$0x1FC80] =	vst v19;
	v19 =	vld [tilespmem:$0x1FE80]  }
0x2a1: {  	v48 =	vld [tilespmem:$0x1FE90]  }
0x2a2: {  	v31 =	vor.u32 v43, v5;
	v59 =	vld [tilespmem:$0x1FEA0]  }
0x2a3: {  	v35 =	vor.u32 v37, v5;
	v50 =	vld [tilespmem:$0x1FEB0]  }
0x2a4: {  	v36 =	vor.u32 v38, v5;
	v51 =	vld [tilespmem:$0x1FEC0]  }
0x2a5: {  	v39 =	vmov v56;
	v34 =	vld.idx.msk [tilespmem:v34+s3+$0x0], $0xffff;
	v56 =	vor.u32 v19, v5  }
0x2a6: {  	v28 =	vld.idx.msk [tilespmem:v28+s3+$0x0], $0xffff;
	v58 =	vor.u32 v48, v5  }
0x2a7: {  	v24 =	vld.idx.msk [tilespmem:v24+s3+$0x0], $0xffff;
	[tilespmem:v31+s18+$0x0] =	vst.idx.msk $0xffff, v30;
	v30 =	vor.u32 v59, v5  }
0x2a8: {  	v31 =	vor.u32 v50, v5;
	[tilespmem:v35+s18+$0x0] =	vst.idx.msk $0xffff, v32  }
0x2a9: {  	[tilespmem:v36+s18+$0x0] =	vst.idx.msk $0xffff, v27;
	v27 =	vor.u32 v51, v5  }
0x2aa: {  	[tilespmem:v56+s18+$0x0] =	vst.idx.msk $0xffff, v33  }
0x2ab: {  	v35 =	vld [tilespmem:$0x1FEE0];
	[tilespmem:v58+s18+$0x0] =	vst.idx.msk $0xffff, v20  }
0x2ac: {  	[tilespmem:v30+s18+$0x0] =	vst.idx.msk $0xffff, v16  }
0x2ad: {  	[tilespmem:v31+s18+$0x0] =	vst.idx.msk $0xffff, v15  }
0x2ae: {  	[tilespmem:v27+s18+$0x0] =	vst.idx.msk $0xffff, v12;
	v27 =	vld [tilespmem:$0x1FF10]  }
0x2af: {  	v40 =	vmov v62;
	v62 =	vor.u32 v61, v5;
	v30 =	vld [tilespmem:$0x1FF20]  }
0x2b0: {  	v38 =	vld [tilespmem:$0x1FF30];
	v20 =	vor.u32 v35, v5  }
0x2b1: {  	v48 =	vld [tilespmem:$0x1FF40];
	v16 =	vor.u32 v60, v5  }
0x2b2: {  	v42 =	vmov v49;
	v49 =	vld [tilespmem:$0x1FF50];
	v15 =	vor.u32 v54, v5  }
0x2b3: {  	v50 =	vld [tilespmem:$0x1FF60];
	v12 =	vor.u32 v27, v5  }
0x2b4: {  	v53 =	vld [tilespmem:$0x1FF70];
	[tilespmem:v62+s18+$0x0] =	vst.idx.msk $0xffff, v11;
	v11 =	vor.u32 v30, v5  }
0x2b5: {  	v55 =	vld [tilespmem:$0x1FF80];
	[tilespmem:v20+s18+$0x0] =	vst.idx.msk $0xffff, v25;
	v20 =	vor.u32 v38, v5  }
0x2b6: {  	v58 =	vld [tilespmem:$0x1FF90];
	[tilespmem:v16+s18+$0x0] =	vst.idx.msk $0xffff, v14;
	v5 =	vor.u32 v48, v5  }
0x2b7: {  	[tilespmem:v15+s18+$0x0] =	vst.idx.msk $0xffff, v13;
	v13 =	vor.u32 v49, v0  }
0x2b8: {  	[tilespmem:v12+s18+$0x0] =	vst.idx.msk $0xffff, v26;
	v12 =	vor.u32 v50, v0  }
0x2b9: {  	[tilespmem:v11+s18+$0x0] =	vst.idx.msk $0xffff, v18;
	v11 =	vor.u32 v53, v0  }
0x2ba: {  	v14 =	vor.u32 v55, v0;
	[tilespmem:v20+s18+$0x0] =	vst.idx.msk $0xffff, v17  }
0x2bb: {  	v53 =	vld [tilespmem:$0x1FFA0];
	[tilespmem:v5+s18+$0x0] =	vst.idx.msk $0xffff, v21;
	v5 =	vor.u32 v58, v0  }
0x2bc: {  	[tilespmem:v13+s18+$0x0] =	vst.idx.msk $0xffff, v4  }
0x2bd: {  	v59 =	vld [tilespmem:$0x1FFB0];
	[tilespmem:v12+s18+$0x0] =	vst.idx.msk $0xffff, v3  }
0x2be: {  	[tilespmem:v11+s18+$0x0] =	vst.idx.msk $0xffff, v10;
	v10 =	vld [tilespmem:$0x1FCC0]  }
0x2bf: {  	v60 =	vld [tilespmem:$0x1FCD0];
	[tilespmem:v14+s18+$0x0] =	vst.idx.msk $0xffff, v7  }
0x2c0: {  	v4 =	vor.u32 v53, v0;
	[tilespmem:v5+s18+$0x0] =	vst.idx.msk $0xffff, v1;
	v1 =	vld [tilespmem:$0x1FCE0];
	_ =	sdelay $0x1  }
0x2c1: {  	v3 =	vor.u32 v59, v0  }
0x2c2: {  	v10 =	vor.u32 v10, v0  }
0x2c3: {  	v7 =	vor.u32 v60, v0  }
0x2c4: {  	[tilespmem:v4+s18+$0x0] =	vst.idx.msk $0xffff, v8;
	v8 =	vld [tilespmem:$0x1FFC0];
	v1 =	vor.u32 v1, v0;
	_ =	sdelay $0x1  }
0x2c5: {  	[tilespmem:v3+s18+$0x0] =	vst.idx.msk $0xffff, v6;
	v3 =	vld [tilespmem:$0x1FCF0]  }
0x2c6: {  	v12 =	vld [tilespmem:$0x1FFD0];
	[tilespmem:v10+s18+$0x0] =	vst.idx.msk $0xffff, v9  }
0x2c7: {  	v61 =	vld [tilespmem:$0x1FFE0];
	[tilespmem:v7+s18+$0x0] =	vst.idx.msk $0xffff, v24  }
0x2c8: {  	v4 =	vor.u32 v8, v0;
	[tilespmem:v1+s18+$0x0] =	vst.idx.msk $0xffff, v28;
	v1 =	vld [tilespmem:$0x1FD00];
	_ =	sdelay $0x1  }
0x2c9: {  	v3 =	vor.u32 v3, v0  }
0x2ca: {  	v5 =	vor.u32 v12, v0  }
0x2cb: {  	v62 =	vor.u32 v61, v0  }
0x2cc: {  	[tilespmem:v4+s18+$0x0] =	vst.idx.msk $0xffff, v34;
	v4 =	vld [tilespmem:$0x1FFF0];
	v1 =	vor.u32 v1, v0;
	_ =	sdelay $0x1  }
0x2cd: {  	[tilespmem:v3+s18+$0x0] =	vst.idx.msk $0xffff, v29  }
0x2ce: {  	[tilespmem:v5+s18+$0x0] =	vst.idx.msk $0xffff, v23  }
0x2cf: {  	[tilespmem:v62+s18+$0x0] =	vst.idx.msk $0xffff, v2  }
0x2d0: {  	v0 =	vor.u32 v4, v0;
	[tilespmem:v1+s18+$0x0] =	vst.idx.msk $0xffff, v22;
	v1 =	vld [tilespmem:$0x1FC80];
	_ =	sdelay $0x4  }
0x2d1: {  	[tilespmem:v0+s18+$0x0] =	vst.idx.msk $0xffff, v1  }
0x2d2: {  	[hbm4b:s10+s3] =	stream.linear.scatter [tilespmem:s18], [sflag:$0x5], $0x2000, $0x38;
	[tilespmem:$0x8000] =	vst v63  }
0x2d3: {  	_ =	swait.ge [sflag:s23], $0x2000  }
0x2d4: {  	v9 =	vld [tilespmem:$0x1FD10]  }
0x2d5: {  	v22 =	vld [tilespmem:$0x1FDC0]  }
0x2d6: {  	v10 =	vld [tilespmem:$0x1FDD0]  }
0x2d7: {  	v3 =	vld [tilespmem:$0x1FDE0]  }
0x2d8: {  	v18 =	vld [tilespmem:$0x1FDF0]  }
0x2d9: {  	v13 =	vld [tilespmem:$0x1FE00]  }
0x2da: {  	v28 =	vld [tilespmem:$0x1FE20]  }
0x2db: {  	v29 =	vld [tilespmem:$0x1FE30]  }
0x2dc: {  	v31 =	vld [tilespmem:$0x1FE40]  }
0x2dd: {  	v17 =	vld [tilespmem:$0x1FE50]  }
.Ltmp11:
0x2de: {  	v35 =	vld [tilespmem:$0x1FE60];
	(pc) =	sbr.rel .LBB2_16-.Ltmp11, $4  }
0x2df: {  	v36 =	vld [tilespmem:$0x1FE70]  }
0x2e0: {  	v59 =	vld [tilespmem:$0x1FD70]  }
0x2e1: {  	[sflag:s23] =	ssyncset.done $0x0;
	v60 =	vld [tilespmem:$0x1FD40]  }
0x2e2: {  	v41 =	vmov v52;
	v61 =	vld [tilespmem:$0x1FD50];
	[sflag:s23] =	ssyncadd.s32 $0xFFFFE000  }
.LBB2_17:
0x2e3: {  	_ =	sfence.sel $0x180000  }
0x2e4: {  	[bflag:$0x0] =	sbarrier.arrive $0xFFFF  }
0x2e5: {  	_ =	strace $0x90000047  }
0x2e6: {  	s0 =	sadd.s32 @!p0 $0x100000, s2;
	[bflag:$0x2] =	sbarrier.arrive $0xFFFF  }
0x2e7: {  	[sflag:s0] =	ssyncadd.tile.s32 @!p0 $0x1;
	_ =	shalt  }
.Lfunc_end2:
_tile_overlayer_lowered:
.L_overlay_start_2:
0x2e8: {  	(tag) =	ssettag $0x2  }
0x2e9: {  	s0 =	rddreg [dreg:$0x0];
	s2 =	stileid.u32  }
0x2ea: {  	s1 =	rddreg [dreg:$0x1];
	p0 =	sne.s32 s2, $0x0  }
0x2eb: {  	s3 =	rddreg [dreg:$0x2];
	[bflag:$0x3] =	sbarrier.arrive $0xFFFF;
	s2 =	simm.s32 @!p0 $0x1C05  }
0x2ec: {  	[timem:s3], [sflag:s2] =	dma.local @!p0 [hbm:s0], s1  }
0x2ed: {  	s0 =	simm.s32 @!p0 $0x5  }
0x2ee: {  	_ =	swait.ge @!p0 [sflag:s0], s1  }
0x2ef: {  	s1 =	ssub.s32 @!p0 $0x0, s1;
	[sflag:s0] =	ssyncset.done @!p0 $0x0  }
0x2f0: {  	[sflag:s0] =	ssyncadd.s32 @!p0 s1  }
0x2f1: {  	[bflag:$0x3] =	sbarrier.arrive $0xFFFF  }
0x2f2: {  	_ =	shalt  }

</sc_bundles>
